<compile_context>
chip_gen: v7x
topology: tpu7x:2x2x1
jax: 0.10.2.dev20260603
libtpu: 0.0.44.dev20260713+nightly
codegen_flags: <defaults>
</compile_context>

<pallas_src>
import functools

import jax
import jax.numpy as jnp
from jax import lax
from jax.experimental import pallas as pl
from jax.experimental.pallas import tpu as pltpu
from jax.experimental.pallas import tpu_sc as plsc

DIM = 768
NH = 12
DH = 64
TOPK = 4
P = 16
RT = 256
N = P * RT
HF = 3072

_F32 = jnp.float32
_BF16 = jnp.bfloat16
_DT_KV = jnp.bfloat16


def _layernorm(x, g, b):
    mu = jnp.mean(x, axis=-1, keepdims=True)
    xc = x - mu
    var = jnp.mean(xc * xc, axis=-1, keepdims=True)
    return xc * jax.lax.rsqrt(var + 1e-5) * g + b



def _qkv_body(x_ref, g_ref, b_ref, w_ref, bq_ref,
              q_ref, k_ref, v_ref, qs_ref, ks_ref):
    xn = _layernorm(x_ref[...], g_ref[...], b_ref[...])
    u = jnp.dot(xn, w_ref[...], preferred_element_type=_F32) + bq_ref[...]
    s = (u > 0.0).astype(_DT_KV)
    q = s[:, :DIM]
    k = s[:, DIM:2 * DIM]
    v = s[:, 2 * DIM:]
    q_ref[...] = q
    k_ref[...] = k
    v_ref[...] = v
    qs_ref[...] = jnp.sum(q.astype(_F32), axis=0, keepdims=True)[None]
    ks_ref[...] = jnp.sum(k.astype(_F32), axis=0, keepdims=True)[None]


def _run_qkv(x2d, gamma1, beta1, W_qkv, b_qkv):
    return pl.pallas_call(
        _qkv_body,
        grid=(P,),
        in_specs=[
            pl.BlockSpec((RT, DIM), lambda p: (p, 0)),
            pl.BlockSpec((DIM,), lambda p: (0,)),
            pl.BlockSpec((DIM,), lambda p: (0,)),
            pl.BlockSpec((DIM, 3 * DIM), lambda p: (0, 0)),
            pl.BlockSpec((3 * DIM,), lambda p: (0,)),
        ],
        out_specs=[
            pl.BlockSpec((RT, DIM), lambda p: (p, 0)),
            pl.BlockSpec((RT, DIM), lambda p: (p, 0)),
            pl.BlockSpec((RT, DIM), lambda p: (p, 0)),
            pl.BlockSpec((1, 1, DIM), lambda p: (p, 0, 0)),
            pl.BlockSpec((1, 1, DIM), lambda p: (p, 0, 0)),
        ],
        out_shape=[
            jax.ShapeDtypeStruct((N, DIM), _DT_KV),
            jax.ShapeDtypeStruct((N, DIM), _DT_KV),
            jax.ShapeDtypeStruct((N, DIM), _DT_KV),
            jax.ShapeDtypeStruct((P, 1, DIM), _F32),
            jax.ShapeDtypeStruct((P, 1, DIM), _F32),
        ],
    )(x2d, gamma1, beta1, W_qkv, b_qkv)



def _run_route_sc(qs, ksT):
    mesh = plsc.VectorSubcoreMesh(core_axis_name="c", subcore_axis_name="s")

    @functools.partial(
        pl.kernel,
        out_type=jax.ShapeDtypeStruct((P, P), jnp.int32),
        mesh=mesh,
        scratch_types=[
            pltpu.VMEM((DIM,), _F32),
            pltpu.VMEM((DIM, P), _F32),
            pltpu.VMEM((P,), jnp.int32),
        ],
        compiler_params=pltpu.CompilerParams(needs_layout_passes=False),
    )
    def body(qs_hbm, ksT_hbm, out_hbm, qrow_v, ksT_v, idx_v):
        wid = lax.axis_index("s") * 2 + lax.axis_index("c")

        @pl.when(wid < P)
        def _():
            pltpu.sync_copy(qs_hbm.at[wid], qrow_v)
            pltpu.sync_copy(ksT_hbm, ksT_v)
            lanes = lax.iota(jnp.int32, 16)

            def step(c1, acc):
                qchunk = qrow_v[pl.ds(c1 * 16, 16)]
                for c2 in range(16):
                    kc = ksT_v[c1 * 16 + c2, :]
                    qv = jnp.full((16,), qchunk[c2], _F32)
                    acc = acc + qv * kc
                return acc

            scores = lax.fori_loop(0, DIM // 16, step, jnp.zeros((16,), _F32))
            skeys, _ = plsc.sort_key_val(scores, lanes, descending=True)
            idxv = jnp.zeros((16,), jnp.int32)
            for t in range(TOPK):
                j = plsc.all_reduce_ffs(scores == skeys[t])
                idxv = jnp.where(lanes == t, j, idxv)
                scores = jnp.where(lanes == j, -jnp.inf, scores)
            idx_v[...] = idxv
            pltpu.sync_copy(idx_v, out_hbm.at[wid])

    return body(qs, ksT)



def _attn_body(idx_ref, q_ref, k0, k1, k2, k3, v0, v1, v2, v3,
               x_ref, wo_ref, bo_ref, y_ref, kcat, vcat, attn):
    del idx_ref
    for t, (kt, vt) in enumerate(((k0, v0), (k1, v1), (k2, v2), (k3, v3))):
        kcat[t * RT:(t + 1) * RT, :] = kt[...]
        vcat[t * RT:(t + 1) * RT, :] = vt[...]
    q = q_ref[...]
    scale = float(DH) ** -0.5
    for h in range(NH):
        sl = slice(h * DH, (h + 1) * DH)
        s = jax.lax.dot_general(q[:, sl], kcat[:, sl],
                                (((1,), (1,)), ((), ())),
                                preferred_element_type=_F32)
        ss = s * scale
        m = jnp.max(ss, axis=-1, keepdims=True)
        e = jnp.exp(ss - m)
        den = jnp.sum(e, axis=-1, keepdims=True)
        p_ = e / den
        attn[:, sl] = jnp.dot(p_, vcat[:, sl].astype(_F32),
                              preferred_element_type=_F32)
    y_ref[...] = (x_ref[...]
                  + jnp.dot(attn[...], wo_ref[...],
                            preferred_element_type=_F32)
                  + bo_ref[...])


def _run_attn(idx_flat, q, k, v, x2d, W_o, b_o):
    kv_specs = []
    for t in range(TOPK):
        kv_specs.append(pl.BlockSpec(
            (RT, DIM),
            functools.partial(lambda tt, p, idx: (idx[TOPK * p + tt], 0), t)))
    grid_spec = pltpu.PrefetchScalarGridSpec(
        num_scalar_prefetch=1,
        grid=(P,),
        in_specs=[
            pl.BlockSpec((RT, DIM), lambda p, idx: (p, 0)),
            *kv_specs,
            *kv_specs,
            pl.BlockSpec((RT, DIM), lambda p, idx: (p, 0)),
            pl.BlockSpec((DIM, DIM), lambda p, idx: (0, 0)),
            pl.BlockSpec((DIM,), lambda p, idx: (0,)),
        ],
        out_specs=pl.BlockSpec((RT, DIM), lambda p, idx: (p, 0)),
        scratch_shapes=[
            pltpu.VMEM((TOPK * RT, DIM), _DT_KV),
            pltpu.VMEM((TOPK * RT, DIM), _DT_KV),
            pltpu.VMEM((RT, DIM), _F32),
        ],
    )
    return pl.pallas_call(
        _attn_body,
        grid_spec=grid_spec,
        out_shape=jax.ShapeDtypeStruct((N, DIM), _F32),
    )(idx_flat, q, k, k, k, k, v, v, v, v, x2d, W_o, b_o)



def _mlp_body(x_ref, g_ref, b_ref, w1_ref, b1_ref, w2_ref, b2_ref, o_ref):
    x = x_ref[...]
    xn = _layernorm(x, g_ref[...], b_ref[...])
    u = jnp.dot(xn, w1_ref[...], preferred_element_type=_F32) + b1_ref[...]
    h = (u > 0.0).astype(_F32)
    y = jnp.dot(h, w2_ref[...], preferred_element_type=_F32) + b2_ref[...]
    o_ref[...] = x + y


def _run_mlp(y1, gamma2, beta2, W1, b1, W2, b2):
    return pl.pallas_call(
        _mlp_body,
        grid=(P,),
        in_specs=[
            pl.BlockSpec((RT, DIM), lambda p: (p, 0)),
            pl.BlockSpec((DIM,), lambda p: (0,)),
            pl.BlockSpec((DIM,), lambda p: (0,)),
            pl.BlockSpec((DIM, HF), lambda p: (0, 0)),
            pl.BlockSpec((HF,), lambda p: (0,)),
            pl.BlockSpec((HF, DIM), lambda p: (0, 0)),
            pl.BlockSpec((DIM,), lambda p: (0,)),
        ],
        out_specs=pl.BlockSpec((RT, DIM), lambda p: (p, 0)),
        out_shape=jax.ShapeDtypeStruct((N, DIM), _F32),
    )(y1, gamma2, beta2, W1, b1, W2, b2)


def kernel(x, gamma1, beta1, W_qkv, b_qkv, W_o, b_o, gamma2, beta2,
           W1, b1, W2, b2):
    x2d = x[0]
    q, k, v, qs, ks = _run_qkv(x2d, gamma1, beta1, W_qkv, b_qkv)
    q_reg = (qs[:, 0, :] * (1.0 / RT)).astype(_BF16).astype(_F32)
    k_reg = (ks[:, 0, :] * (1.0 / RT)).astype(_BF16).astype(_F32)
    idx_pad = _run_route_sc(q_reg, k_reg.T)
    idx_flat = idx_pad[:, :TOPK].reshape(-1)
    y1 = _run_attn(idx_flat, q, k, v, x2d, W_o, b_o)
    out = _run_mlp(y1, gamma2, beta2, W1, b1, W2, b2)
    return out[None]

# --- scband reference (transcript-rebuilt; emitter-appended) ---
"""Pipeline reference for scband-spiking-bi-physformer-block-3667902071439 (READ-ONLY COPY).

The authoritative reference and input builder live on the scoring server;
editing this copy changes nothing except your own understanding.
"""

import jax, jax.numpy as jnp
import numpy as np

DIM = 768
NUM_HEADS = 12
TOPK = 4
N_WIN = 4
MLP_RATIO = 4.0


def _ln(x, g, b, eps=1e-5):
    mu = jnp.mean(x, axis=-1, keepdims=True)
    var = jnp.var(x, axis=-1, keepdims=True)
    return (x - mu) / jnp.sqrt(var + eps) * g + b


def _spike(u):
    # Heaviside spike with sigmoid surrogate gradient (straight-through style)
    s = (u > 0.0).astype(u.dtype)
    sur = jax.nn.sigmoid(4.0 * u)
    return sur + jax.lax.stop_gradient(s - sur)


def setup_inputs(seed: int = 0) -> dict:
    key = jax.random.key(seed)
    ks = jax.random.split(key, 8)
    B, N, C = 1, 4096, DIM
    Hf = int(C * MLP_RATIO)
    inp = {
        "x": jax.random.normal(ks[0], (B, N, C), dtype=jnp.float32),
        "gamma1": jnp.ones((C,), jnp.float32),
        "beta1": jnp.zeros((C,), jnp.float32),
        "W_qkv": (jax.random.normal(ks[1], (C, 3 * C), dtype=jnp.float32) * 0.02),
        "b_qkv": jnp.zeros((3 * C,), jnp.float32),
        "W_o": (jax.random.normal(ks[2], (C, C), dtype=jnp.float32) * 0.02),
        "b_o": jnp.zeros((C,), jnp.float32),
        "gamma2": jnp.ones((C,), jnp.float32),
        "beta2": jnp.zeros((C,), jnp.float32),
        "W1": (jax.random.normal(ks[3], (C, Hf), dtype=jnp.float32) * 0.02),
        "b1": jnp.zeros((Hf,), jnp.float32),
        "W2": (jax.random.normal(ks[4], (Hf, C), dtype=jnp.float32) * 0.02),
        "b2": jnp.zeros((C,), jnp.float32),
    }
    return inp


def _bi_level_routing_attn(xn, W_qkv, b_qkv, W_o, b_o):
    B, N, C = xn.shape
    P = N_WIN * N_WIN
    rt = N // P
    Hh = NUM_HEADS
    dh = C // Hh
    qkv = xn @ W_qkv + b_qkv
    q, k, v = jnp.split(qkv, 3, axis=-1)
    # spiking activations on q, k, v
    q = _spike(q)
    k = _spike(k)
    v = _spike(v)
    qr = q.reshape(B, P, rt, C)
    kr = k.reshape(B, P, rt, C)
    vr = v.reshape(B, P, rt, C)
    # region-level (coarse) descriptors
    q_reg = qr.mean(axis=2)  # [B, P, C]
    k_reg = kr.mean(axis=2)  # [B, P, C]
    # region-to-region routing adjacency + top-k region selection
    A = jnp.einsum('bpc,bqc->bpq', q_reg, k_reg)  # [B, P, P]
    _, idx = jax.lax.top_k(A, TOPK)  # [B, P, TOPK]
    idxe = idx[:, :, :, None, None]  # [B, P, TOPK, 1, 1]
    # gather K/V of routed regions: [B, P, TOPK, rt, C]
    k_g = jnp.take_along_axis(kr[:, None, :, :, :], idxe, axis=2)
    v_g = jnp.take_along_axis(vr[:, None, :, :, :], idxe, axis=2)
    k_g = k_g.reshape(B, P, TOPK * rt, Hh, dh)
    v_g = v_g.reshape(B, P, TOPK * rt, Hh, dh)
    qh = qr.reshape(B, P, rt, Hh, dh)
    scale = float(dh) ** -0.5
    att = jnp.einsum('bprhd,bpkhd->bphrk', qh, k_g) * scale
    att = jax.nn.softmax(att, axis=-1)
    out = jnp.einsum('bphrk,bpkhd->bprhd', att, v_g)
    out = out.reshape(B, N, C)
    return out @ W_o + b_o


def _mlp(xn, W1, b1, W2, b2):
    h = xn @ W1 + b1
    h = _spike(h)
    return h @ W2 + b2


def reference(x, gamma1, beta1, W_qkv, b_qkv, W_o, b_o, gamma2, beta2, W1, b1, W2, b2):
    x = x + _bi_level_routing_attn(_ln(x, gamma1, beta1), W_qkv, b_qkv, W_o, b_o)
    x = x + _mlp(_ln(x, gamma2, beta2), W1, b1, W2, b2)
    return x

if __name__ == "__main__":
    import jax
    _d = setup_inputs()
    print(jax.jit(kernel)(*tuple(_d.values())))

</pallas_src>

<mosaic_0001>
#map = affine_map<(d0, d1) -> (0, 0)>
module attributes {stable_mosaic.version = 14 : i64} {
  func.func @body(%arg0: i32, %arg1: i32, %arg2: memref<16x768xf32, #tpu.memory_space<hbm>>, %arg3: memref<768x16xf32, #tpu.memory_space<hbm>>, %arg4: memref<16x16xi32, #tpu.memory_space<hbm>>, %arg5: memref<768xf32, #tpu.memory_space<vmem>>, %arg6: memref<768x16xf32, #tpu.memory_space<vmem>>, %arg7: memref<16xi32, #tpu.memory_space<vmem>>) attributes {dimension_semantics = [#tpu.dimension_semantics<core_parallel>, #tpu.dimension_semantics<subcore_parallel>], iteration_bounds = array<i64: 2, 16>, scalar_prefetch = 0 : i64, scratch_operands = 3 : i64, tpu.core_type = #tpu.core_type<sc_vector_subcore>, window_params = [{transform_indices = #map}, {transform_indices = #map}, {transform_indices = #map}]} {
    %mul3A = arith.constant 2 : i32
    %mul3A_0 = arith.muli %arg1, %mul3A : i32
    %add3A = arith.addi %mul3A_0, %arg0 : i32
    %lt3A = arith.constant 16 : i32
    %lt3A_1 = arith.cmpi slt, %add3A, %lt3A : i32
    %convert_element_type3A = arith.extui %lt3A_1 : i1 to i32
    %cond3A = arith.constant 0 : i32
    %cond3A_2 = arith.cmpi ne, %convert_element_type3A, %cond3A : i32
    scf.if %cond3A_2 {
      "tpu.region"() ({
        %run_scoped3A = tpu.sem_alloc : memref<!tpu.dma_semaphore, #tpu.memory_space<semaphore_mem>>
        %dma_start3A = arith.constant 0 : i32
        %dma_start3A_61 = tpu.memref_slice %arg2[%add3A, %dma_start3A] : memref<16x768xf32, #tpu.memory_space<hbm>> -> memref<1x768xf32, #tpu.memory_space<hbm>>
        %dma_start3A_62 = tpu.memref_squeeze %dma_start3A_61 : memref<1x768xf32, #tpu.memory_space<hbm>> -> memref<768xf32, #tpu.memory_space<hbm>>
        %dma_start3A_63 = arith.constant 0 : i32
        %dma_start3A_64 = tpu.memref_slice %arg2[%add3A, %dma_start3A_63] : memref<16x768xf32, #tpu.memory_space<hbm>> -> memref<1x768xf32, #tpu.memory_space<hbm>>
        %dma_start3A_65 = tpu.memref_squeeze %dma_start3A_64 : memref<1x768xf32, #tpu.memory_space<hbm>> -> memref<768xf32, #tpu.memory_space<hbm>>
        tpu.enqueue_dma source(%dma_start3A_65 : memref<768xf32, #tpu.memory_space<hbm>>) target(%arg5 : memref<768xf32, #tpu.memory_space<vmem>>) target_semaphore(%run_scoped3A : memref<!tpu.dma_semaphore, #tpu.memory_space<semaphore_mem>>)
        %dma_wait3A = arith.constant 0 : i32
        %dma_wait3A_66 = tpu.memref_slice %arg2[%add3A, %dma_wait3A] : memref<16x768xf32, #tpu.memory_space<hbm>> -> memref<1x768xf32, #tpu.memory_space<hbm>>
        %dma_wait3A_67 = tpu.memref_squeeze %dma_wait3A_66 : memref<1x768xf32, #tpu.memory_space<hbm>> -> memref<768xf32, #tpu.memory_space<hbm>>
        %dma_wait3A_68 = arith.constant 0 : i32
        %dma_wait3A_69 = tpu.memref_slice %arg2[%add3A, %dma_wait3A_68] : memref<16x768xf32, #tpu.memory_space<hbm>> -> memref<1x768xf32, #tpu.memory_space<hbm>>
        %dma_wait3A_70 = tpu.memref_squeeze %dma_wait3A_69 : memref<1x768xf32, #tpu.memory_space<hbm>> -> memref<768xf32, #tpu.memory_space<hbm>>
        tpu.wait_dma2 semaphore(%run_scoped3A : memref<!tpu.dma_semaphore, #tpu.memory_space<semaphore_mem>>) src(%dma_wait3A_70 : memref<768xf32, #tpu.memory_space<hbm>>) dst(%arg5 : memref<768xf32, #tpu.memory_space<vmem>>)
        tpu.yield
      }) : () -> ()
      "tpu.region"() ({
        %run_scoped3A = tpu.sem_alloc : memref<!tpu.dma_semaphore, #tpu.memory_space<semaphore_mem>>
        tpu.enqueue_dma source(%arg3 : memref<768x16xf32, #tpu.memory_space<hbm>>) target(%arg6 : memref<768x16xf32, #tpu.memory_space<vmem>>) target_semaphore(%run_scoped3A : memref<!tpu.dma_semaphore, #tpu.memory_space<semaphore_mem>>)
        tpu.wait_dma2 semaphore(%run_scoped3A : memref<!tpu.dma_semaphore, #tpu.memory_space<semaphore_mem>>) src(%arg3 : memref<768x16xf32, #tpu.memory_space<hbm>>) dst(%arg6 : memref<768x16xf32, #tpu.memory_space<vmem>>)
        tpu.yield
      }) : () -> ()
      %iota3A = tpu.iota {dimensions = array<i32: 0>} : vector<16xi32>
      %broadcast_in_dim3A = arith.constant 0.000000e+00 : f32
      %broadcast_in_dim3A_3 = vector.broadcast %broadcast_in_dim3A : f32 to vector<16xf32>
      %scan3A = arith.constant 0 : i32
      %scan3A_4 = arith.constant 48 : i32
      %scan3A_5 = arith.addi %scan3A, %scan3A_4 : i32
      %scan3A_6 = arith.constant 1 : i32
      %scan3A_7 = scf.for %scan3A_61 = %scan3A to %scan3A_5 step %scan3A_6 iter_args(%scan3A_62 = %broadcast_in_dim3A_3) -> (vector<16xf32>)  : i32 {
        %mul3A_63 = arith.constant 16 : i32
        %mul3A_64 = arith.muli %scan3A_61, %mul3A_63 : i32
        %get3A = arith.index_cast %mul3A_64 : i32 to index
        %get3A_65 = tpu.vector_load %arg5[%get3A] {strides = array<i32>} : memref<768xf32, #tpu.memory_space<vmem>>, vector<16xf32>,
        %mul3A_66 = arith.constant 16 : i32
        %mul3A_67 = arith.muli %scan3A_61, %mul3A_66 : i32
        %add3A_68 = arith.constant 0 : i32
        %add3A_69 = arith.addi %mul3A_67, %add3A_68 : i32
        %get3A_70 = arith.index_cast %add3A_69 : i32 to index
        %get3A_71 = arith.constant 0 : index
        %get3A_72 = tpu.vector_load %arg6[%get3A_70, %get3A_71] {strides = array<i32>} : memref<768x16xf32, #tpu.memory_space<vmem>>, vector<16xf32>,
        %slice3A_73 = vector.extract_strided_slice %get3A_65 {offsets = [0], sizes = [1], strides = [1]} : vector<16xf32> to vector<1xf32>
        %squeeze3A_74 = vector.extract %slice3A_73[0] : f32 from vector<1xf32>
        %broadcast_in_dim3A_75 = vector.broadcast %squeeze3A_74 : f32 to vector<16xf32>
        %mul3A_76 = arith.mulf %broadcast_in_dim3A_75, %get3A_72 : vector<16xf32>
        %add3A_77 = arith.addf %scan3A_62, %mul3A_76 : vector<16xf32>
        %mul3A_78 = arith.constant 16 : i32
        %mul3A_79 = arith.muli %scan3A_61, %mul3A_78 : i32
        %add3A_80 = arith.constant 1 : i32
        %add3A_81 = arith.addi %mul3A_79, %add3A_80 : i32
        %get3A_82 = arith.index_cast %add3A_81 : i32 to index
        %get3A_83 = arith.constant 0 : index
        %get3A_84 = tpu.vector_load %arg6[%get3A_82, %get3A_83] {strides = array<i32>} : memref<768x16xf32, #tpu.memory_space<vmem>>, vector<16xf32>,
        %slice3A_85 = vector.extract_strided_slice %get3A_65 {offsets = [1], sizes = [1], strides = [1]} : vector<16xf32> to vector<1xf32>
        %squeeze3A_86 = vector.extract %slice3A_85[0] : f32 from vector<1xf32>
        %broadcast_in_dim3A_87 = vector.broadcast %squeeze3A_86 : f32 to vector<16xf32>
        %mul3A_88 = arith.mulf %broadcast_in_dim3A_87, %get3A_84 : vector<16xf32>
        %add3A_89 = arith.addf %add3A_77, %mul3A_88 : vector<16xf32>
        %mul3A_90 = arith.constant 16 : i32
        %mul3A_91 = arith.muli %scan3A_61, %mul3A_90 : i32
        %add3A_92 = arith.constant 2 : i32
        %add3A_93 = arith.addi %mul3A_91, %add3A_92 : i32
        %get3A_94 = arith.index_cast %add3A_93 : i32 to index
        %get3A_95 = arith.constant 0 : index
        %get3A_96 = tpu.vector_load %arg6[%get3A_94, %get3A_95] {strides = array<i32>} : memref<768x16xf32, #tpu.memory_space<vmem>>, vector<16xf32>,
        %slice3A_97 = vector.extract_strided_slice %get3A_65 {offsets = [2], sizes = [1], strides = [1]} : vector<16xf32> to vector<1xf32>
        %squeeze3A_98 = vector.extract %slice3A_97[0] : f32 from vector<1xf32>
        %broadcast_in_dim3A_99 = vector.broadcast %squeeze3A_98 : f32 to vector<16xf32>
        %mul3A_100 = arith.mulf %broadcast_in_dim3A_99, %get3A_96 : vector<16xf32>
        %add3A_101 = arith.addf %add3A_89, %mul3A_100 : vector<16xf32>
        %mul3A_102 = arith.constant 16 : i32
        %mul3A_103 = arith.muli %scan3A_61, %mul3A_102 : i32
        %add3A_104 = arith.constant 3 : i32
        %add3A_105 = arith.addi %mul3A_103, %add3A_104 : i32
        %get3A_106 = arith.index_cast %add3A_105 : i32 to index
        %get3A_107 = arith.constant 0 : index
        %get3A_108 = tpu.vector_load %arg6[%get3A_106, %get3A_107] {strides = array<i32>} : memref<768x16xf32, #tpu.memory_space<vmem>>, vector<16xf32>,
        %slice3A_109 = vector.extract_strided_slice %get3A_65 {offsets = [3], sizes = [1], strides = [1]} : vector<16xf32> to vector<1xf32>
        %squeeze3A_110 = vector.extract %slice3A_109[0] : f32 from vector<1xf32>
        %broadcast_in_dim3A_111 = vector.broadcast %squeeze3A_110 : f32 to vector<16xf32>
        %mul3A_112 = arith.mulf %broadcast_in_dim3A_111, %get3A_108 : vector<16xf32>
        %add3A_113 = arith.addf %add3A_101, %mul3A_112 : vector<16xf32>
        %mul3A_114 = arith.constant 16 : i32
        %mul3A_115 = arith.muli %scan3A_61, %mul3A_114 : i32
        %add3A_116 = arith.constant 4 : i32
        %add3A_117 = arith.addi %mul3A_115, %add3A_116 : i32
        %get3A_118 = arith.index_cast %add3A_117 : i32 to index
        %get3A_119 = arith.constant 0 : index
        %get3A_120 = tpu.vector_load %arg6[%get3A_118, %get3A_119] {strides = array<i32>} : memref<768x16xf32, #tpu.memory_space<vmem>>, vector<16xf32>,
        %slice3A_121 = vector.extract_strided_slice %get3A_65 {offsets = [4], sizes = [1], strides = [1]} : vector<16xf32> to vector<1xf32>
        %squeeze3A_122 = vector.extract %slice3A_121[0] : f32 from vector<1xf32>
        %broadcast_in_dim3A_123 = vector.broadcast %squeeze3A_122 : f32 to vector<16xf32>
        %mul3A_124 = arith.mulf %broadcast_in_dim3A_123, %get3A_120 : vector<16xf32>
        %add3A_125 = arith.addf %add3A_113, %mul3A_124 : vector<16xf32>
        %mul3A_126 = arith.constant 16 : i32
        %mul3A_127 = arith.muli %scan3A_61, %mul3A_126 : i32
        %add3A_128 = arith.constant 5 : i32
        %add3A_129 = arith.addi %mul3A_127, %add3A_128 : i32
        %get3A_130 = arith.index_cast %add3A_129 : i32 to index
        %get3A_131 = arith.constant 0 : index
        %get3A_132 = tpu.vector_load %arg6[%get3A_130, %get3A_131] {strides = array<i32>} : memref<768x16xf32, #tpu.memory_space<vmem>>, vector<16xf32>,
        %slice3A_133 = vector.extract_strided_slice %get3A_65 {offsets = [5], sizes = [1], strides = [1]} : vector<16xf32> to vector<1xf32>
        %squeeze3A_134 = vector.extract %slice3A_133[0] : f32 from vector<1xf32>
        %broadcast_in_dim3A_135 = vector.broadcast %squeeze3A_134 : f32 to vector<16xf32>
        %mul3A_136 = arith.mulf %broadcast_in_dim3A_135, %get3A_132 : vector<16xf32>
        %add3A_137 = arith.addf %add3A_125, %mul3A_136 : vector<16xf32>
        %mul3A_138 = arith.constant 16 : i32
        %mul3A_139 = arith.muli %scan3A_61, %mul3A_138 : i32
        %add3A_140 = arith.constant 6 : i32
        %add3A_141 = arith.addi %mul3A_139, %add3A_140 : i32
        %get3A_142 = arith.index_cast %add3A_141 : i32 to index
        %get3A_143 = arith.constant 0 : index
        %get3A_144 = tpu.vector_load %arg6[%get3A_142, %get3A_143] {strides = array<i32>} : memref<768x16xf32, #tpu.memory_space<vmem>>, vector<16xf32>,
        %slice3A_145 = vector.extract_strided_slice %get3A_65 {offsets = [6], sizes = [1], strides = [1]} : vector<16xf32> to vector<1xf32>
        %squeeze3A_146 = vector.extract %slice3A_145[0] : f32 from vector<1xf32>
        %broadcast_in_dim3A_147 = vector.broadcast %squeeze3A_146 : f32 to vector<16xf32>
        %mul3A_148 = arith.mulf %broadcast_in_dim3A_147, %get3A_144 : vector<16xf32>
        %add3A_149 = arith.addf %add3A_137, %mul3A_148 : vector<16xf32>
        %mul3A_150 = arith.constant 16 : i32
        %mul3A_151 = arith.muli %scan3A_61, %mul3A_150 : i32
        %add3A_152 = arith.constant 7 : i32
        %add3A_153 = arith.addi %mul3A_151, %add3A_152 : i32
        %get3A_154 = arith.index_cast %add3A_153 : i32 to index
        %get3A_155 = arith.constant 0 : index
        %get3A_156 = tpu.vector_load %arg6[%get3A_154, %get3A_155] {strides = array<i32>} : memref<768x16xf32, #tpu.memory_space<vmem>>, vector<16xf32>,
        %slice3A_157 = vector.extract_strided_slice %get3A_65 {offsets = [7], sizes = [1], strides = [1]} : vector<16xf32> to vector<1xf32>
        %squeeze3A_158 = vector.extract %slice3A_157[0] : f32 from vector<1xf32>
        %broadcast_in_dim3A_159 = vector.broadcast %squeeze3A_158 : f32 to vector<16xf32>
        %mul3A_160 = arith.mulf %broadcast_in_dim3A_159, %get3A_156 : vector<16xf32>
        %add3A_161 = arith.addf %add3A_149, %mul3A_160 : vector<16xf32>
        %mul3A_162 = arith.constant 16 : i32
        %mul3A_163 = arith.muli %scan3A_61, %mul3A_162 : i32
        %add3A_164 = arith.constant 8 : i32
        %add3A_165 = arith.addi %mul3A_163, %add3A_164 : i32
        %get3A_166 = arith.index_cast %add3A_165 : i32 to index
        %get3A_167 = arith.constant 0 : index
        %get3A_168 = tpu.vector_load %arg6[%get3A_166, %get3A_167] {strides = array<i32>} : memref<768x16xf32, #tpu.memory_space<vmem>>, vector<16xf32>,
        %slice3A_169 = vector.extract_strided_slice %get3A_65 {offsets = [8], sizes = [1], strides = [1]} : vector<16xf32> to vector<1xf32>
        %squeeze3A_170 = vector.extract %slice3A_169[0] : f32 from vector<1xf32>
        %broadcast_in_dim3A_171 = vector.broadcast %squeeze3A_170 : f32 to vector<16xf32>
        %mul3A_172 = arith.mulf %broadcast_in_dim3A_171, %get3A_168 : vector<16xf32>
        %add3A_173 = arith.addf %add3A_161, %mul3A_172 : vector<16xf32>
        %mul3A_174 = arith.constant 16 : i32
        %mul3A_175 = arith.muli %scan3A_61, %mul3A_174 : i32
        %add3A_176 = arith.constant 9 : i32
        %add3A_177 = arith.addi %mul3A_175, %add3A_176 : i32
        %get3A_178 = arith.index_cast %add3A_177 : i32 to index
        %get3A_179 = arith.constant 0 : index
        %get3A_180 = tpu.vector_load %arg6[%get3A_178, %get3A_179] {strides = array<i32>} : memref<768x16xf32, #tpu.memory_space<vmem>>, vector<16xf32>,
        %slice3A_181 = vector.extract_strided_slice %get3A_65 {offsets = [9], sizes = [1], strides = [1]} : vector<16xf32> to vector<1xf32>
        %squeeze3A_182 = vector.extract %slice3A_181[0] : f32 from vector<1xf32>
        %broadcast_in_dim3A_183 = vector.broadcast %squeeze3A_182 : f32 to vector<16xf32>
        %mul3A_184 = arith.mulf %broadcast_in_dim3A_183, %get3A_180 : vector<16xf32>
        %add3A_185 = arith.addf %add3A_173, %mul3A_184 : vector<16xf32>
        %mul3A_186 = arith.constant 16 : i32
        %mul3A_187 = arith.muli %scan3A_61, %mul3A_186 : i32
        %add3A_188 = arith.constant 10 : i32
        %add3A_189 = arith.addi %mul3A_187, %add3A_188 : i32
        %get3A_190 = arith.index_cast %add3A_189 : i32 to index
        %get3A_191 = arith.constant 0 : index
        %get3A_192 = tpu.vector_load %arg6[%get3A_190, %get3A_191] {strides = array<i32>} : memref<768x16xf32, #tpu.memory_space<vmem>>, vector<16xf32>,
        %slice3A_193 = vector.extract_strided_slice %get3A_65 {offsets = [10], sizes = [1], strides = [1]} : vector<16xf32> to vector<1xf32>
        %squeeze3A_194 = vector.extract %slice3A_193[0] : f32 from vector<1xf32>
        %broadcast_in_dim3A_195 = vector.broadcast %squeeze3A_194 : f32 to vector<16xf32>
        %mul3A_196 = arith.mulf %broadcast_in_dim3A_195, %get3A_192 : vector<16xf32>
        %add3A_197 = arith.addf %add3A_185, %mul3A_196 : vector<16xf32>
        %mul3A_198 = arith.constant 16 : i32
        %mul3A_199 = arith.muli %scan3A_61, %mul3A_198 : i32
        %add3A_200 = arith.constant 11 : i32
        %add3A_201 = arith.addi %mul3A_199, %add3A_200 : i32
        %get3A_202 = arith.index_cast %add3A_201 : i32 to index
        %get3A_203 = arith.constant 0 : index
        %get3A_204 = tpu.vector_load %arg6[%get3A_202, %get3A_203] {strides = array<i32>} : memref<768x16xf32, #tpu.memory_space<vmem>>, vector<16xf32>,
        %slice3A_205 = vector.extract_strided_slice %get3A_65 {offsets = [11], sizes = [1], strides = [1]} : vector<16xf32> to vector<1xf32>
        %squeeze3A_206 = vector.extract %slice3A_205[0] : f32 from vector<1xf32>
        %broadcast_in_dim3A_207 = vector.broadcast %squeeze3A_206 : f32 to vector<16xf32>
        %mul3A_208 = arith.mulf %broadcast_in_dim3A_207, %get3A_204 : vector<16xf32>
        %add3A_209 = arith.addf %add3A_197, %mul3A_208 : vector<16xf32>
        %mul3A_210 = arith.constant 16 : i32
        %mul3A_211 = arith.muli %scan3A_61, %mul3A_210 : i32
        %add3A_212 = arith.constant 12 : i32
        %add3A_213 = arith.addi %mul3A_211, %add3A_212 : i32
        %get3A_214 = arith.index_cast %add3A_213 : i32 to index
        %get3A_215 = arith.constant 0 : index
        %get3A_216 = tpu.vector_load %arg6[%get3A_214, %get3A_215] {strides = array<i32>} : memref<768x16xf32, #tpu.memory_space<vmem>>, vector<16xf32>,
        %slice3A_217 = vector.extract_strided_slice %get3A_65 {offsets = [12], sizes = [1], strides = [1]} : vector<16xf32> to vector<1xf32>
        %squeeze3A_218 = vector.extract %slice3A_217[0] : f32 from vector<1xf32>
        %broadcast_in_dim3A_219 = vector.broadcast %squeeze3A_218 : f32 to vector<16xf32>
        %mul3A_220 = arith.mulf %broadcast_in_dim3A_219, %get3A_216 : vector<16xf32>
        %add3A_221 = arith.addf %add3A_209, %mul3A_220 : vector<16xf32>
        %mul3A_222 = arith.constant 16 : i32
        %mul3A_223 = arith.muli %scan3A_61, %mul3A_222 : i32
        %add3A_224 = arith.constant 13 : i32
        %add3A_225 = arith.addi %mul3A_223, %add3A_224 : i32
        %get3A_226 = arith.index_cast %add3A_225 : i32 to index
        %get3A_227 = arith.constant 0 : index
        %get3A_228 = tpu.vector_load %arg6[%get3A_226, %get3A_227] {strides = array<i32>} : memref<768x16xf32, #tpu.memory_space<vmem>>, vector<16xf32>,
        %slice3A_229 = vector.extract_strided_slice %get3A_65 {offsets = [13], sizes = [1], strides = [1]} : vector<16xf32> to vector<1xf32>
        %squeeze3A_230 = vector.extract %slice3A_229[0] : f32 from vector<1xf32>
        %broadcast_in_dim3A_231 = vector.broadcast %squeeze3A_230 : f32 to vector<16xf32>
        %mul3A_232 = arith.mulf %broadcast_in_dim3A_231, %get3A_228 : vector<16xf32>
        %add3A_233 = arith.addf %add3A_221, %mul3A_232 : vector<16xf32>
        %mul3A_234 = arith.constant 16 : i32
        %mul3A_235 = arith.muli %scan3A_61, %mul3A_234 : i32
        %add3A_236 = arith.constant 14 : i32
        %add3A_237 = arith.addi %mul3A_235, %add3A_236 : i32
        %get3A_238 = arith.index_cast %add3A_237 : i32 to index
        %get3A_239 = arith.constant 0 : index
        %get3A_240 = tpu.vector_load %arg6[%get3A_238, %get3A_239] {strides = array<i32>} : memref<768x16xf32, #tpu.memory_space<vmem>>, vector<16xf32>,
        %slice3A_241 = vector.extract_strided_slice %get3A_65 {offsets = [14], sizes = [1], strides = [1]} : vector<16xf32> to vector<1xf32>
        %squeeze3A_242 = vector.extract %slice3A_241[0] : f32 from vector<1xf32>
        %broadcast_in_dim3A_243 = vector.broadcast %squeeze3A_242 : f32 to vector<16xf32>
        %mul3A_244 = arith.mulf %broadcast_in_dim3A_243, %get3A_240 : vector<16xf32>
        %add3A_245 = arith.addf %add3A_233, %mul3A_244 : vector<16xf32>
        %mul3A_246 = arith.constant 16 : i32
        %mul3A_247 = arith.muli %scan3A_61, %mul3A_246 : i32
        %add3A_248 = arith.constant 15 : i32
        %add3A_249 = arith.addi %mul3A_247, %add3A_248 : i32
        %get3A_250 = arith.index_cast %add3A_249 : i32 to index
        %get3A_251 = arith.constant 0 : index
        %get3A_252 = tpu.vector_load %arg6[%get3A_250, %get3A_251] {strides = array<i32>} : memref<768x16xf32, #tpu.memory_space<vmem>>, vector<16xf32>,
        %slice3A_253 = vector.extract_strided_slice %get3A_65 {offsets = [15], sizes = [1], strides = [1]} : vector<16xf32> to vector<1xf32>
        %squeeze3A_254 = vector.extract %slice3A_253[0] : f32 from vector<1xf32>
        %broadcast_in_dim3A_255 = vector.broadcast %squeeze3A_254 : f32 to vector<16xf32>
        %mul3A_256 = arith.mulf %broadcast_in_dim3A_255, %get3A_252 : vector<16xf32>
        %add3A_257 = arith.addf %add3A_245, %mul3A_256 : vector<16xf32>
        scf.yield %add3A_257 : vector<16xf32>
      }
      %scan3A_8 = arith.constant 48 : i32
      %masked_sort3A = arith.constant dense<true> : vector<16xi1>
      %masked_sort3A_9, %masked_sort3A_10, %masked_sort3A_11 = tpu.sort %scan3A_7, %iota3A masked %masked_sort3A {descending = true} : (vector<16xf32>, vector<16xi32>, vector<16xi1>) -> (vector<16xi1>, vector<16xf32>, vector<16xi32>)
      %broadcast_in_dim3A_12 = arith.constant 0 : i32
      %broadcast_in_dim3A_13 = vector.broadcast %broadcast_in_dim3A_12 : i32 to vector<16xi32>
      %slice3A = vector.extract_strided_slice %masked_sort3A_10 {offsets = [0], sizes = [1], strides = [1]} : vector<16xf32> to vector<1xf32>
      %squeeze3A = vector.extract %slice3A[0] : f32 from vector<1xf32>
      %eq3A = vector.broadcast %squeeze3A : f32 to vector<16xf32>
      %eq3A_14 = arith.cmpf oeq, %scan3A_7, %eq3A : vector<16xf32>
      %all_reduce_ffs3A = tpu.all_reduce %eq3A_14 {dim = 0 : i64, kind = #tpu.reduction_kind<find_first_set>} : vector<16xi1> -> vector<16xi32>
      %eq3A_15 = arith.constant 0 : i32
      %eq3A_16 = vector.broadcast %eq3A_15 : i32 to vector<16xi32>
      %eq3A_17 = arith.cmpi eq, %iota3A, %eq3A_16 : vector<16xi32>
      %select_n3A = arith.select %eq3A_17, %all_reduce_ffs3A, %broadcast_in_dim3A_13 : vector<16xi1>, vector<16xi32>
      %eq3A_18 = arith.cmpi eq, %iota3A, %all_reduce_ffs3A : vector<16xi32>
      %jit3A = arith.constant 0xFF800000 : f32
      %broadcast_in_dim3A_19 = vector.broadcast %jit3A : f32 to vector<16xf32>
      %select_n3A_20 = arith.select %eq3A_18, %broadcast_in_dim3A_19, %scan3A_7 : vector<16xi1>, vector<16xf32>
      %slice3A_21 = vector.extract_strided_slice %masked_sort3A_10 {offsets = [1], sizes = [1], strides = [1]} : vector<16xf32> to vector<1xf32>
      %squeeze3A_22 = vector.extract %slice3A_21[0] : f32 from vector<1xf32>
      %eq3A_23 = vector.broadcast %squeeze3A_22 : f32 to vector<16xf32>
      %eq3A_24 = arith.cmpf oeq, %select_n3A_20, %eq3A_23 : vector<16xf32>
      %all_reduce_ffs3A_25 = tpu.all_reduce %eq3A_24 {dim = 0 : i64, kind = #tpu.reduction_kind<find_first_set>} : vector<16xi1> -> vector<16xi32>
      %eq3A_26 = arith.constant 1 : i32
      %eq3A_27 = vector.broadcast %eq3A_26 : i32 to vector<16xi32>
      %eq3A_28 = arith.cmpi eq, %iota3A, %eq3A_27 : vector<16xi32>
      %select_n3A_29 = arith.select %eq3A_28, %all_reduce_ffs3A_25, %select_n3A : vector<16xi1>, vector<16xi32>
      %eq3A_30 = arith.cmpi eq, %iota3A, %all_reduce_ffs3A_25 : vector<16xi32>
      %jit3A_31 = arith.constant 0xFF800000 : f32
      %broadcast_in_dim3A_32 = vector.broadcast %jit3A_31 : f32 to vector<16xf32>
      %select_n3A_33 = arith.select %eq3A_30, %broadcast_in_dim3A_32, %select_n3A_20 : vector<16xi1>, vector<16xf32>
      %slice3A_34 = vector.extract_strided_slice %masked_sort3A_10 {offsets = [2], sizes = [1], strides = [1]} : vector<16xf32> to vector<1xf32>
      %squeeze3A_35 = vector.extract %slice3A_34[0] : f32 from vector<1xf32>
      %eq3A_36 = vector.broadcast %squeeze3A_35 : f32 to vector<16xf32>
      %eq3A_37 = arith.cmpf oeq, %select_n3A_33, %eq3A_36 : vector<16xf32>
      %all_reduce_ffs3A_38 = tpu.all_reduce %eq3A_37 {dim = 0 : i64, kind = #tpu.reduction_kind<find_first_set>} : vector<16xi1> -> vector<16xi32>
      %eq3A_39 = arith.constant 2 : i32
      %eq3A_40 = vector.broadcast %eq3A_39 : i32 to vector<16xi32>
      %eq3A_41 = arith.cmpi eq, %iota3A, %eq3A_40 : vector<16xi32>
      %select_n3A_42 = arith.select %eq3A_41, %all_reduce_ffs3A_38, %select_n3A_29 : vector<16xi1>, vector<16xi32>
      %eq3A_43 = arith.cmpi eq, %iota3A, %all_reduce_ffs3A_38 : vector<16xi32>
      %jit3A_44 = arith.constant 0xFF800000 : f32
      %broadcast_in_dim3A_45 = vector.broadcast %jit3A_44 : f32 to vector<16xf32>
      %select_n3A_46 = arith.select %eq3A_43, %broadcast_in_dim3A_45, %select_n3A_33 : vector<16xi1>, vector<16xf32>
      %slice3A_47 = vector.extract_strided_slice %masked_sort3A_10 {offsets = [3], sizes = [1], strides = [1]} : vector<16xf32> to vector<1xf32>
      %squeeze3A_48 = vector.extract %slice3A_47[0] : f32 from vector<1xf32>
      %eq3A_49 = vector.broadcast %squeeze3A_48 : f32 to vector<16xf32>
      %eq3A_50 = arith.cmpf oeq, %select_n3A_46, %eq3A_49 : vector<16xf32>
      %all_reduce_ffs3A_51 = tpu.all_reduce %eq3A_50 {dim = 0 : i64, kind = #tpu.reduction_kind<find_first_set>} : vector<16xi1> -> vector<16xi32>
      %eq3A_52 = arith.constant 3 : i32
      %eq3A_53 = vector.broadcast %eq3A_52 : i32 to vector<16xi32>
      %eq3A_54 = arith.cmpi eq, %iota3A, %eq3A_53 : vector<16xi32>
      %select_n3A_55 = arith.select %eq3A_54, %all_reduce_ffs3A_51, %select_n3A_42 : vector<16xi1>, vector<16xi32>
      %eq3A_56 = arith.cmpi eq, %iota3A, %all_reduce_ffs3A_51 : vector<16xi32>
      %jit3A_57 = arith.constant 0xFF800000 : f32
      %broadcast_in_dim3A_58 = vector.broadcast %jit3A_57 : f32 to vector<16xf32>
      %select_n3A_59 = arith.select %eq3A_56, %broadcast_in_dim3A_58, %select_n3A_46 : vector<16xi1>, vector<16xf32>
      %swap3A = arith.constant 0 : index
      %swap3A_60 = tpu.vector_load %arg7[%swap3A] {strides = array<i32>} : memref<16xi32, #tpu.memory_space<vmem>>, vector<16xi32>,
      tpu.vector_store %arg7[%swap3A], %select_n3A_55 {strides = array<i32>} : memref<16xi32, #tpu.memory_space<vmem>>, vector<16xi32>,
      "tpu.region"() ({
        %run_scoped3A = tpu.sem_alloc : memref<!tpu.dma_semaphore, #tpu.memory_space<semaphore_mem>>
        %dma_start3A = arith.constant 0 : i32
        %dma_start3A_61 = tpu.memref_slice %arg4[%add3A, %dma_start3A] : memref<16x16xi32, #tpu.memory_space<hbm>> -> memref<1x16xi32, #tpu.memory_space<hbm>>
        %dma_start3A_62 = tpu.memref_squeeze %dma_start3A_61 : memref<1x16xi32, #tpu.memory_space<hbm>> -> memref<16xi32, #tpu.memory_space<hbm>>
        %dma_start3A_63 = arith.constant 0 : i32
        %dma_start3A_64 = tpu.memref_slice %arg4[%add3A, %dma_start3A_63] : memref<16x16xi32, #tpu.memory_space<hbm>> -> memref<1x16xi32, #tpu.memory_space<hbm>>
        %dma_start3A_65 = tpu.memref_squeeze %dma_start3A_64 : memref<1x16xi32, #tpu.memory_space<hbm>> -> memref<16xi32, #tpu.memory_space<hbm>>
        tpu.enqueue_dma source(%arg7 : memref<16xi32, #tpu.memory_space<vmem>>) target(%dma_start3A_65 : memref<16xi32, #tpu.memory_space<hbm>>) target_semaphore(%run_scoped3A : memref<!tpu.dma_semaphore, #tpu.memory_space<semaphore_mem>>)
        %dma_wait3A = arith.constant 0 : i32
        %dma_wait3A_66 = tpu.memref_slice %arg4[%add3A, %dma_wait3A] : memref<16x16xi32, #tpu.memory_space<hbm>> -> memref<1x16xi32, #tpu.memory_space<hbm>>
        %dma_wait3A_67 = tpu.memref_squeeze %dma_wait3A_66 : memref<1x16xi32, #tpu.memory_space<hbm>> -> memref<16xi32, #tpu.memory_space<hbm>>
        %dma_wait3A_68 = arith.constant 0 : i32
        %dma_wait3A_69 = tpu.memref_slice %arg4[%add3A, %dma_wait3A_68] : memref<16x16xi32, #tpu.memory_space<hbm>> -> memref<1x16xi32, #tpu.memory_space<hbm>>
        %dma_wait3A_70 = tpu.memref_squeeze %dma_wait3A_69 : memref<1x16xi32, #tpu.memory_space<hbm>> -> memref<16xi32, #tpu.memory_space<hbm>>
        tpu.wait_dma2 semaphore(%run_scoped3A : memref<!tpu.dma_semaphore, #tpu.memory_space<semaphore_mem>>) src(%arg7 : memref<16xi32, #tpu.memory_space<vmem>>) dst(%dma_wait3A_70 : memref<16xi32, #tpu.memory_space<hbm>>)
        tpu.yield
      }) : () -> ()
    } else {
    }
    return
  }
}

module attributes {stable_mosaic.version = 14 : i64} {
  func.func @_qkv_body(%arg0: i32, %arg1: memref<256x768xf32, #tpu.memory_space<vmem>>, %arg2: memref<768xf32, #tpu.memory_space<vmem>>, %arg3: memref<768xf32, #tpu.memory_space<vmem>>, %arg4: memref<768x2304xf32, #tpu.memory_space<vmem>>, %arg5: memref<2304xf32, #tpu.memory_space<vmem>>, %arg6: memref<256x768xbf16, #tpu.memory_space<vmem>>, %arg7: memref<256x768xbf16, #tpu.memory_space<vmem>>, %arg8: memref<256x768xbf16, #tpu.memory_space<vmem>>, %arg9: memref<1x1x768xf32, #tpu.memory_space<vmem>>, %arg10: memref<1x1x768xf32, #tpu.memory_space<vmem>>) attributes {dimension_semantics = [#tpu.dimension_semantics<arbitrary>], iteration_bounds = array<i64: 16>, scalar_prefetch = 0 : i64, scratch_operands = 0 : i64, tpu.core_type = #tpu.core_type<tc>, window_params = [{transform_indices = @transform_0, window_bounds = array<i64: 256, 768>}, {pipeline_mode = #tpu.pipeline_mode<synchronous>, transform_indices = @transform_1, window_bounds = array<i64: 768>}, {pipeline_mode = #tpu.pipeline_mode<synchronous>, transform_indices = @transform_2, window_bounds = array<i64: 768>}, {pipeline_mode = #tpu.pipeline_mode<synchronous>, transform_indices = @transform_3, window_bounds = array<i64: 768, 2304>}, {pipeline_mode = #tpu.pipeline_mode<synchronous>, transform_indices = @transform_4, window_bounds = array<i64: 2304>}, {transform_indices = @transform_5, window_bounds = array<i64: 256, 768>}, {transform_indices = @transform_6, window_bounds = array<i64: 256, 768>}, {transform_indices = @transform_7, window_bounds = array<i64: 256, 768>}, {transform_indices = @transform_8, window_bounds = array<i64: 1, 1, 768>}, {transform_indices = @transform_9, window_bounds = array<i64: 1, 1, 768>}]} {
    %get3A = arith.constant 0 : index
    %get3A_0 = arith.constant 0 : index
    %get3A_1 = vector.load %arg1[%get3A, %get3A_0] : memref<256x768xf32, #tpu.memory_space<vmem>>, vector<256x768xf32>
    %get3A_2 = arith.constant 0 : index
    %get3A_3 = vector.load %arg2[%get3A_2] : memref<768xf32, #tpu.memory_space<vmem>>, vector<768xf32>
    %get3A_4 = arith.constant 0 : index
    %get3A_5 = vector.load %arg3[%get3A_4] : memref<768xf32, #tpu.memory_space<vmem>>, vector<768xf32>
    %reduce_sum3A = arith.constant dense<0.000000e+00> : vector<256xf32>
    %reduce_sum3A_6 = vector.multi_reduction <add>, %get3A_1, %reduce_sum3A [1] : vector<256x768xf32> to vector<256xf32>
    %broadcast_in_dim3A = vector.shape_cast %reduce_sum3A_6 : vector<256xf32> to vector<256x1xf32>
    %div3A = arith.constant 7.680000e+02 : f32
    %div3A_7 = vector.broadcast %div3A : f32 to vector<256x1xf32>
    %div3A_8 = arith.divf %broadcast_in_dim3A, %div3A_7 : vector<256x1xf32>
    %sub3A = vector.broadcast %div3A_8 : vector<256x1xf32> to vector<256x768xf32>
    %sub3A_9 = arith.subf %get3A_1, %sub3A : vector<256x768xf32>
    %mul3A = arith.mulf %sub3A_9, %sub3A_9 : vector<256x768xf32>
    %reduce_sum3A_10 = arith.constant dense<0.000000e+00> : vector<256xf32>
    %reduce_sum3A_11 = vector.multi_reduction <add>, %mul3A, %reduce_sum3A_10 [1] : vector<256x768xf32> to vector<256xf32>
    %broadcast_in_dim3A_12 = vector.shape_cast %reduce_sum3A_11 : vector<256xf32> to vector<256x1xf32>
    %div3A_13 = arith.constant 7.680000e+02 : f32
    %div3A_14 = vector.broadcast %div3A_13 : f32 to vector<256x1xf32>
    %div3A_15 = arith.divf %broadcast_in_dim3A_12, %div3A_14 : vector<256x1xf32>
    %add3A = arith.constant 9.99999974E-6 : f32
    %add3A_16 = vector.broadcast %add3A : f32 to vector<256x1xf32>
    %add3A_17 = arith.addf %div3A_15, %add3A_16 : vector<256x1xf32>
    %rsqrt3A = math.rsqrt %add3A_17 : vector<256x1xf32>
    %mul3A_18 = vector.broadcast %rsqrt3A : vector<256x1xf32> to vector<256x768xf32>
    %mul3A_19 = arith.mulf %sub3A_9, %mul3A_18 : vector<256x768xf32>
    %broadcast_in_dim3A_20 = vector.shape_cast %get3A_3 : vector<768xf32> to vector<1x768xf32>
    %mul3A_21 = vector.broadcast %broadcast_in_dim3A_20 : vector<1x768xf32> to vector<256x768xf32>
    %mul3A_22 = arith.mulf %mul3A_19, %mul3A_21 : vector<256x768xf32>
    %broadcast_in_dim3A_23 = vector.shape_cast %get3A_5 : vector<768xf32> to vector<1x768xf32>
    %add3A_24 = vector.broadcast %broadcast_in_dim3A_23 : vector<1x768xf32> to vector<256x768xf32>
    %add3A_25 = arith.addf %mul3A_22, %add3A_24 : vector<256x768xf32>
    %get3A_26 = arith.constant 0 : index
    %get3A_27 = arith.constant 0 : index
    %get3A_28 = vector.load %arg4[%get3A_26, %get3A_27] : memref<768x2304xf32, #tpu.memory_space<vmem>>, vector<768x2304xf32>
    %dot_general3A = arith.constant dense<0.000000e+00> : vector<256x2304xf32>
    %dot_general3A_29 = tpu.matmul %add3A_25, %get3A_28, %dot_general3A {dimension_numbers = #tpu.dot_dimension_numbers<[1], [0], [0], [1], [0, 0, 1, 1], [], []>, transpose_lhs_hint = false} : vector<256x768xf32>, vector<768x2304xf32>, vector<256x2304xf32> -> vector<256x2304xf32>
    %get3A_30 = arith.constant 0 : index
    %get3A_31 = vector.load %arg5[%get3A_30] : memref<2304xf32, #tpu.memory_space<vmem>>, vector<2304xf32>
    %broadcast_in_dim3A_32 = vector.shape_cast %get3A_31 : vector<2304xf32> to vector<1x2304xf32>
    %add3A_33 = vector.broadcast %broadcast_in_dim3A_32 : vector<1x2304xf32> to vector<256x2304xf32>
    %add3A_34 = arith.addf %dot_general3A_29, %add3A_33 : vector<256x2304xf32>
    %gt3A = arith.constant 0.000000e+00 : f32
    %gt3A_35 = vector.broadcast %gt3A : f32 to vector<256x2304xf32>
    %gt3A_36 = arith.cmpf ogt, %add3A_34, %gt3A_35 : vector<256x2304xf32>
    %convert_element_type3A = arith.extui %gt3A_36 : vector<256x2304xi1> to vector<256x2304xi32>
    %convert_element_type3A_37 = arith.sitofp %convert_element_type3A : vector<256x2304xi32> to vector<256x2304xf32>
    %convert_element_type3A_38 = arith.truncf %convert_element_type3A_37 : vector<256x2304xf32> to vector<256x2304xbf16>
    %slice3A = vector.extract_strided_slice %convert_element_type3A_38 {offsets = [0, 0], sizes = [256, 768], strides = [1, 1]} : vector<256x2304xbf16> to vector<256x768xbf16>
    %slice3A_39 = vector.extract_strided_slice %convert_element_type3A_38 {offsets = [0, 768], sizes = [256, 768], strides = [1, 1]} : vector<256x2304xbf16> to vector<256x768xbf16>
    %slice3A_40 = vector.extract_strided_slice %convert_element_type3A_38 {offsets = [0, 1536], sizes = [256, 768], strides = [1, 1]} : vector<256x2304xbf16> to vector<256x768xbf16>
    %swap3A = arith.constant 0 : index
    %swap3A_41 = arith.constant 0 : index
    %swap3A_42 = vector.load %arg6[%swap3A, %swap3A_41] : memref<256x768xbf16, #tpu.memory_space<vmem>>, vector<256x768xbf16>
    tpu.vector_store %arg6[%swap3A, %swap3A_41], %slice3A {strides = array<i32>} : memref<256x768xbf16, #tpu.memory_space<vmem>>, vector<256x768xbf16>,
    %swap3A_43 = arith.constant 0 : index
    %swap3A_44 = arith.constant 0 : index
    %swap3A_45 = vector.load %arg7[%swap3A_43, %swap3A_44] : memref<256x768xbf16, #tpu.memory_space<vmem>>, vector<256x768xbf16>
    tpu.vector_store %arg7[%swap3A_43, %swap3A_44], %slice3A_39 {strides = array<i32>} : memref<256x768xbf16, #tpu.memory_space<vmem>>, vector<256x768xbf16>,
    %swap3A_46 = arith.constant 0 : index
    %swap3A_47 = arith.constant 0 : index
    %swap3A_48 = vector.load %arg8[%swap3A_46, %swap3A_47] : memref<256x768xbf16, #tpu.memory_space<vmem>>, vector<256x768xbf16>
    tpu.vector_store %arg8[%swap3A_46, %swap3A_47], %slice3A_40 {strides = array<i32>} : memref<256x768xbf16, #tpu.memory_space<vmem>>, vector<256x768xbf16>,
    %convert_element_type3A_49 = arith.extf %slice3A : vector<256x768xbf16> to vector<256x768xf32>
    %reduce_sum3A_50 = arith.constant dense<0.000000e+00> : vector<768xf32>
    %reduce_sum3A_51 = vector.multi_reduction <add>, %convert_element_type3A_49, %reduce_sum3A_50 [0] : vector<256x768xf32> to vector<768xf32>
    %broadcast_in_dim3A_52 = vector.shape_cast %reduce_sum3A_51 : vector<768xf32> to vector<1x768xf32>
    %broadcast_in_dim3A_53 = vector.shape_cast %broadcast_in_dim3A_52 : vector<1x768xf32> to vector<1x1x768xf32>
    %swap3A_54 = arith.constant 0 : index
    %swap3A_55 = arith.constant 0 : index
    %swap3A_56 = arith.constant 0 : index
    %swap3A_57 = vector.load %arg9[%swap3A_54, %swap3A_55, %swap3A_56] : memref<1x1x768xf32, #tpu.memory_space<vmem>>, vector<1x1x768xf32>
    tpu.vector_store %arg9[%swap3A_54, %swap3A_55, %swap3A_56], %broadcast_in_dim3A_53 {strides = array<i32>} : memref<1x1x768xf32, #tpu.memory_space<vmem>>, vector<1x1x768xf32>,
    %convert_element_type3A_58 = arith.extf %slice3A_39 : vector<256x768xbf16> to vector<256x768xf32>
    %reduce_sum3A_59 = arith.constant dense<0.000000e+00> : vector<768xf32>
    %reduce_sum3A_60 = vector.multi_reduction <add>, %convert_element_type3A_58, %reduce_sum3A_59 [0] : vector<256x768xf32> to vector<768xf32>
    %broadcast_in_dim3A_61 = vector.shape_cast %reduce_sum3A_60 : vector<768xf32> to vector<1x768xf32>
    %broadcast_in_dim3A_62 = vector.shape_cast %broadcast_in_dim3A_61 : vector<1x768xf32> to vector<1x1x768xf32>
    %swap3A_63 = arith.constant 0 : index
    %swap3A_64 = arith.constant 0 : index
    %swap3A_65 = arith.constant 0 : index
    %swap3A_66 = vector.load %arg10[%swap3A_63, %swap3A_64, %swap3A_65] : memref<1x1x768xf32, #tpu.memory_space<vmem>>, vector<1x1x768xf32>
    tpu.vector_store %arg10[%swap3A_63, %swap3A_64, %swap3A_65], %broadcast_in_dim3A_62 {strides = array<i32>} : memref<1x1x768xf32, #tpu.memory_space<vmem>>, vector<1x1x768xf32>,
    return
  }
  func.func @transform_0(%arg0: i32) -> (i32, i32) {
    %c0_i32 = arith.constant 0 : i32
    %c0_i32_0 = arith.constant 0 : i32
    return %arg0, %c0_i32 : i32, i32
  }
  func.func @transform_1(%arg0: i32) -> i32 {
    %c0_i32 = arith.constant 0 : i32
    %c0_i32_0 = arith.constant 0 : i32
    return %c0_i32 : i32
  }
  func.func @transform_2(%arg0: i32) -> i32 {
    %c0_i32 = arith.constant 0 : i32
    %c0_i32_0 = arith.constant 0 : i32
    return %c0_i32 : i32
  }
  func.func @transform_3(%arg0: i32) -> (i32, i32) {
    %c0_i32 = arith.constant 0 : i32
    %c0_i32_0 = arith.constant 0 : i32
    %c0_i32_1 = arith.constant 0 : i32
    return %c0_i32, %c0_i32_0 : i32, i32
  }
  func.func @transform_4(%arg0: i32) -> i32 {
    %c0_i32 = arith.constant 0 : i32
    %c0_i32_0 = arith.constant 0 : i32
    return %c0_i32 : i32
  }
  func.func @transform_5(%arg0: i32) -> (i32, i32) {
    %c0_i32 = arith.constant 0 : i32
    %c0_i32_0 = arith.constant 0 : i32
    return %arg0, %c0_i32 : i32, i32
  }
  func.func @transform_6(%arg0: i32) -> (i32, i32) {
    %c0_i32 = arith.constant 0 : i32
    %c0_i32_0 = arith.constant 0 : i32
    return %arg0, %c0_i32 : i32, i32
  }
  func.func @transform_7(%arg0: i32) -> (i32, i32) {
    %c0_i32 = arith.constant 0 : i32
    %c0_i32_0 = arith.constant 0 : i32
    return %arg0, %c0_i32 : i32, i32
  }
  func.func @transform_8(%arg0: i32) -> (i32, i32, i32) {
    %c0_i32 = arith.constant 0 : i32
    %c0_i32_0 = arith.constant 0 : i32
    %c0_i32_1 = arith.constant 0 : i32
    return %arg0, %c0_i32, %c0_i32_0 : i32, i32, i32
  }
  func.func @transform_9(%arg0: i32) -> (i32, i32, i32) {
    %c0_i32 = arith.constant 0 : i32
    %c0_i32_0 = arith.constant 0 : i32
    %c0_i32_1 = arith.constant 0 : i32
    return %arg0, %c0_i32, %c0_i32_0 : i32, i32, i32
  }
}

module attributes {stable_mosaic.version = 14 : i64} {
  func.func @_mlp_body(%arg0: i32, %arg1: memref<256x768xf32, #tpu.memory_space<vmem>>, %arg2: memref<768xf32, #tpu.memory_space<vmem>>, %arg3: memref<768xf32, #tpu.memory_space<vmem>>, %arg4: memref<768x3072xf32, #tpu.memory_space<vmem>>, %arg5: memref<3072xf32, #tpu.memory_space<vmem>>, %arg6: memref<3072x768xf32, #tpu.memory_space<vmem>>, %arg7: memref<768xf32, #tpu.memory_space<vmem>>, %arg8: memref<256x768xf32, #tpu.memory_space<vmem>>) attributes {dimension_semantics = [#tpu.dimension_semantics<arbitrary>], iteration_bounds = array<i64: 16>, scalar_prefetch = 0 : i64, scratch_operands = 0 : i64, tpu.core_type = #tpu.core_type<tc>, window_params = [{transform_indices = @transform_0, window_bounds = array<i64: 256, 768>}, {pipeline_mode = #tpu.pipeline_mode<synchronous>, transform_indices = @transform_1, window_bounds = array<i64: 768>}, {pipeline_mode = #tpu.pipeline_mode<synchronous>, transform_indices = @transform_2, window_bounds = array<i64: 768>}, {pipeline_mode = #tpu.pipeline_mode<synchronous>, transform_indices = @transform_3, window_bounds = array<i64: 768, 3072>}, {pipeline_mode = #tpu.pipeline_mode<synchronous>, transform_indices = @transform_4, window_bounds = array<i64: 3072>}, {pipeline_mode = #tpu.pipeline_mode<synchronous>, transform_indices = @transform_5, window_bounds = array<i64: 3072, 768>}, {pipeline_mode = #tpu.pipeline_mode<synchronous>, transform_indices = @transform_6, window_bounds = array<i64: 768>}, {transform_indices = @transform_7, window_bounds = array<i64: 256, 768>}]} {
    %get3A = arith.constant 0 : index
    %get3A_0 = arith.constant 0 : index
    %get3A_1 = vector.load %arg1[%get3A, %get3A_0] : memref<256x768xf32, #tpu.memory_space<vmem>>, vector<256x768xf32>
    %get3A_2 = arith.constant 0 : index
    %get3A_3 = vector.load %arg2[%get3A_2] : memref<768xf32, #tpu.memory_space<vmem>>, vector<768xf32>
    %get3A_4 = arith.constant 0 : index
    %get3A_5 = vector.load %arg3[%get3A_4] : memref<768xf32, #tpu.memory_space<vmem>>, vector<768xf32>
    %reduce_sum3A = arith.constant dense<0.000000e+00> : vector<256xf32>
    %reduce_sum3A_6 = vector.multi_reduction <add>, %get3A_1, %reduce_sum3A [1] : vector<256x768xf32> to vector<256xf32>
    %broadcast_in_dim3A = vector.shape_cast %reduce_sum3A_6 : vector<256xf32> to vector<256x1xf32>
    %div3A = arith.constant 7.680000e+02 : f32
    %div3A_7 = vector.broadcast %div3A : f32 to vector<256x1xf32>
    %div3A_8 = arith.divf %broadcast_in_dim3A, %div3A_7 : vector<256x1xf32>
    %sub3A = vector.broadcast %div3A_8 : vector<256x1xf32> to vector<256x768xf32>
    %sub3A_9 = arith.subf %get3A_1, %sub3A : vector<256x768xf32>
    %mul3A = arith.mulf %sub3A_9, %sub3A_9 : vector<256x768xf32>
    %reduce_sum3A_10 = arith.constant dense<0.000000e+00> : vector<256xf32>
    %reduce_sum3A_11 = vector.multi_reduction <add>, %mul3A, %reduce_sum3A_10 [1] : vector<256x768xf32> to vector<256xf32>
    %broadcast_in_dim3A_12 = vector.shape_cast %reduce_sum3A_11 : vector<256xf32> to vector<256x1xf32>
    %div3A_13 = arith.constant 7.680000e+02 : f32
    %div3A_14 = vector.broadcast %div3A_13 : f32 to vector<256x1xf32>
    %div3A_15 = arith.divf %broadcast_in_dim3A_12, %div3A_14 : vector<256x1xf32>
    %add3A = arith.constant 9.99999974E-6 : f32
    %add3A_16 = vector.broadcast %add3A : f32 to vector<256x1xf32>
    %add3A_17 = arith.addf %div3A_15, %add3A_16 : vector<256x1xf32>
    %rsqrt3A = math.rsqrt %add3A_17 : vector<256x1xf32>
    %mul3A_18 = vector.broadcast %rsqrt3A : vector<256x1xf32> to vector<256x768xf32>
    %mul3A_19 = arith.mulf %sub3A_9, %mul3A_18 : vector<256x768xf32>
    %broadcast_in_dim3A_20 = vector.shape_cast %get3A_3 : vector<768xf32> to vector<1x768xf32>
    %mul3A_21 = vector.broadcast %broadcast_in_dim3A_20 : vector<1x768xf32> to vector<256x768xf32>
    %mul3A_22 = arith.mulf %mul3A_19, %mul3A_21 : vector<256x768xf32>
    %broadcast_in_dim3A_23 = vector.shape_cast %get3A_5 : vector<768xf32> to vector<1x768xf32>
    %add3A_24 = vector.broadcast %broadcast_in_dim3A_23 : vector<1x768xf32> to vector<256x768xf32>
    %add3A_25 = arith.addf %mul3A_22, %add3A_24 : vector<256x768xf32>
    %get3A_26 = arith.constant 0 : index
    %get3A_27 = arith.constant 0 : index
    %get3A_28 = vector.load %arg4[%get3A_26, %get3A_27] : memref<768x3072xf32, #tpu.memory_space<vmem>>, vector<768x3072xf32>
    %dot_general3A = arith.constant dense<0.000000e+00> : vector<256x3072xf32>
    %dot_general3A_29 = tpu.matmul %add3A_25, %get3A_28, %dot_general3A {dimension_numbers = #tpu.dot_dimension_numbers<[1], [0], [0], [1], [0, 0, 1, 1], [], []>, transpose_lhs_hint = false} : vector<256x768xf32>, vector<768x3072xf32>, vector<256x3072xf32> -> vector<256x3072xf32>
    %get3A_30 = arith.constant 0 : index
    %get3A_31 = vector.load %arg5[%get3A_30] : memref<3072xf32, #tpu.memory_space<vmem>>, vector<3072xf32>
    %broadcast_in_dim3A_32 = vector.shape_cast %get3A_31 : vector<3072xf32> to vector<1x3072xf32>
    %add3A_33 = vector.broadcast %broadcast_in_dim3A_32 : vector<1x3072xf32> to vector<256x3072xf32>
    %add3A_34 = arith.addf %dot_general3A_29, %add3A_33 : vector<256x3072xf32>
    %gt3A = arith.constant 0.000000e+00 : f32
    %gt3A_35 = vector.broadcast %gt3A : f32 to vector<256x3072xf32>
    %gt3A_36 = arith.cmpf ogt, %add3A_34, %gt3A_35 : vector<256x3072xf32>
    %convert_element_type3A = arith.extui %gt3A_36 : vector<256x3072xi1> to vector<256x3072xi32>
    %convert_element_type3A_37 = arith.sitofp %convert_element_type3A : vector<256x3072xi32> to vector<256x3072xf32>
    %get3A_38 = arith.constant 0 : index
    %get3A_39 = arith.constant 0 : index
    %get3A_40 = vector.load %arg6[%get3A_38, %get3A_39] : memref<3072x768xf32, #tpu.memory_space<vmem>>, vector<3072x768xf32>
    %dot_general3A_41 = arith.constant dense<0.000000e+00> : vector<256x768xf32>
    %dot_general3A_42 = tpu.matmul %convert_element_type3A_37, %get3A_40, %dot_general3A_41 {dimension_numbers = #tpu.dot_dimension_numbers<[1], [0], [0], [1], [0, 0, 1, 1], [], []>, transpose_lhs_hint = false} : vector<256x3072xf32>, vector<3072x768xf32>, vector<256x768xf32> -> vector<256x768xf32>
    %get3A_43 = arith.constant 0 : index
    %get3A_44 = vector.load %arg7[%get3A_43] : memref<768xf32, #tpu.memory_space<vmem>>, vector<768xf32>
    %broadcast_in_dim3A_45 = vector.shape_cast %get3A_44 : vector<768xf32> to vector<1x768xf32>
    %add3A_46 = vector.broadcast %broadcast_in_dim3A_45 : vector<1x768xf32> to vector<256x768xf32>
    %add3A_47 = arith.addf %dot_general3A_42, %add3A_46 : vector<256x768xf32>
    %add3A_48 = arith.addf %get3A_1, %add3A_47 : vector<256x768xf32>
    %swap3A = arith.constant 0 : index
    %swap3A_49 = arith.constant 0 : index
    %swap3A_50 = vector.load %arg8[%swap3A, %swap3A_49] : memref<256x768xf32, #tpu.memory_space<vmem>>, vector<256x768xf32>
    tpu.vector_store %arg8[%swap3A, %swap3A_49], %add3A_48 {strides = array<i32>} : memref<256x768xf32, #tpu.memory_space<vmem>>, vector<256x768xf32>,
    return
  }
  func.func @transform_0(%arg0: i32) -> (i32, i32) {
    %c0_i32 = arith.constant 0 : i32
    %c0_i32_0 = arith.constant 0 : i32
    return %arg0, %c0_i32 : i32, i32
  }
  func.func @transform_1(%arg0: i32) -> i32 {
    %c0_i32 = arith.constant 0 : i32
    %c0_i32_0 = arith.constant 0 : i32
    return %c0_i32 : i32
  }
  func.func @transform_2(%arg0: i32) -> i32 {
    %c0_i32 = arith.constant 0 : i32
    %c0_i32_0 = arith.constant 0 : i32
    return %c0_i32 : i32
  }
  func.func @transform_3(%arg0: i32) -> (i32, i32) {
    %c0_i32 = arith.constant 0 : i32
    %c0_i32_0 = arith.constant 0 : i32
    %c0_i32_1 = arith.constant 0 : i32
    return %c0_i32, %c0_i32_0 : i32, i32
  }
  func.func @transform_4(%arg0: i32) -> i32 {
    %c0_i32 = arith.constant 0 : i32
    %c0_i32_0 = arith.constant 0 : i32
    return %c0_i32 : i32
  }
  func.func @transform_5(%arg0: i32) -> (i32, i32) {
    %c0_i32 = arith.constant 0 : i32
    %c0_i32_0 = arith.constant 0 : i32
    %c0_i32_1 = arith.constant 0 : i32
    return %c0_i32, %c0_i32_0 : i32, i32
  }
  func.func @transform_6(%arg0: i32) -> i32 {
    %c0_i32 = arith.constant 0 : i32
    %c0_i32_0 = arith.constant 0 : i32
    return %c0_i32 : i32
  }
  func.func @transform_7(%arg0: i32) -> (i32, i32) {
    %c0_i32 = arith.constant 0 : i32
    %c0_i32_0 = arith.constant 0 : i32
    return %arg0, %c0_i32 : i32, i32
  }
}

module attributes {stable_mosaic.version = 14 : i64} {
  func.func @_attn_body(%arg0: i32, %arg1: memref<64xi32, #tpu.memory_space<smem>>, %arg2: memref<256x768xbf16, #tpu.memory_space<vmem>>, %arg3: memref<256x768xbf16, #tpu.memory_space<vmem>>, %arg4: memref<256x768xbf16, #tpu.memory_space<vmem>>, %arg5: memref<256x768xbf16, #tpu.memory_space<vmem>>, %arg6: memref<256x768xbf16, #tpu.memory_space<vmem>>, %arg7: memref<256x768xbf16, #tpu.memory_space<vmem>>, %arg8: memref<256x768xbf16, #tpu.memory_space<vmem>>, %arg9: memref<256x768xbf16, #tpu.memory_space<vmem>>, %arg10: memref<256x768xbf16, #tpu.memory_space<vmem>>, %arg11: memref<256x768xf32, #tpu.memory_space<vmem>>, %arg12: memref<768x768xf32, #tpu.memory_space<vmem>>, %arg13: memref<768xf32, #tpu.memory_space<vmem>>, %arg14: memref<256x768xf32, #tpu.memory_space<vmem>>, %arg15: memref<1024x768xbf16, #tpu.memory_space<vmem>>, %arg16: memref<1024x768xbf16, #tpu.memory_space<vmem>>, %arg17: memref<256x768xf32, #tpu.memory_space<vmem>>) attributes {dimension_semantics = [#tpu.dimension_semantics<arbitrary>], iteration_bounds = array<i64: 16>, scalar_prefetch = 1 : i64, scratch_operands = 3 : i64, tpu.core_type = #tpu.core_type<tc>, window_params = [{transform_indices = @transform_0, window_bounds = array<i64: 256, 768>}, {transform_indices = @transform_1, window_bounds = array<i64: 256, 768>}, {transform_indices = @transform_2, window_bounds = array<i64: 256, 768>}, {transform_indices = @transform_3, window_bounds = array<i64: 256, 768>}, {transform_indices = @transform_4, window_bounds = array<i64: 256, 768>}, {transform_indices = @transform_5, window_bounds = array<i64: 256, 768>}, {transform_indices = @transform_6, window_bounds = array<i64: 256, 768>}, {transform_indices = @transform_7, window_bounds = array<i64: 256, 768>}, {transform_indices = @transform_8, window_bounds = array<i64: 256, 768>}, {transform_indices = @transform_9, window_bounds = array<i64: 256, 768>}, {pipeline_mode = #tpu.pipeline_mode<synchronous>, transform_indices = @transform_10, window_bounds = array<i64: 768, 768>}, {pipeline_mode = #tpu.pipeline_mode<synchronous>, transform_indices = @transform_11, window_bounds = array<i64: 768>}, {transform_indices = @transform_12, window_bounds = array<i64: 256, 768>}]} {
    %get3A = arith.constant 0 : index
    %get3A_0 = arith.constant 0 : index
    %get3A_1 = vector.load %arg3[%get3A, %get3A_0] : memref<256x768xbf16, #tpu.memory_space<vmem>>, vector<256x768xbf16>
    %swap3A = arith.constant 0 : index
    %swap3A_2 = arith.constant 0 : index
    %swap3A_3 = vector.load %arg15[%swap3A, %swap3A_2] : memref<1024x768xbf16, #tpu.memory_space<vmem>>, vector<256x768xbf16>
    tpu.vector_store %arg15[%swap3A, %swap3A_2], %get3A_1 {strides = array<i32>} : memref<1024x768xbf16, #tpu.memory_space<vmem>>, vector<256x768xbf16>,
    %get3A_4 = arith.constant 0 : index
    %get3A_5 = arith.constant 0 : index
    %get3A_6 = vector.load %arg7[%get3A_4, %get3A_5] : memref<256x768xbf16, #tpu.memory_space<vmem>>, vector<256x768xbf16>
    %swap3A_7 = arith.constant 0 : index
    %swap3A_8 = arith.constant 0 : index
    %swap3A_9 = vector.load %arg16[%swap3A_7, %swap3A_8] : memref<1024x768xbf16, #tpu.memory_space<vmem>>, vector<256x768xbf16>
    tpu.vector_store %arg16[%swap3A_7, %swap3A_8], %get3A_6 {strides = array<i32>} : memref<1024x768xbf16, #tpu.memory_space<vmem>>, vector<256x768xbf16>,
    %get3A_10 = arith.constant 0 : index
    %get3A_11 = arith.constant 0 : index
    %get3A_12 = vector.load %arg4[%get3A_10, %get3A_11] : memref<256x768xbf16, #tpu.memory_space<vmem>>, vector<256x768xbf16>
    %swap3A_13 = arith.constant 256 : index
    %swap3A_14 = arith.constant 0 : index
    %swap3A_15 = vector.load %arg15[%swap3A_13, %swap3A_14] : memref<1024x768xbf16, #tpu.memory_space<vmem>>, vector<256x768xbf16>
    tpu.vector_store %arg15[%swap3A_13, %swap3A_14], %get3A_12 {strides = array<i32>} : memref<1024x768xbf16, #tpu.memory_space<vmem>>, vector<256x768xbf16>,
    %get3A_16 = arith.constant 0 : index
    %get3A_17 = arith.constant 0 : index
    %get3A_18 = vector.load %arg8[%get3A_16, %get3A_17] : memref<256x768xbf16, #tpu.memory_space<vmem>>, vector<256x768xbf16>
    %swap3A_19 = arith.constant 256 : index
    %swap3A_20 = arith.constant 0 : index
    %swap3A_21 = vector.load %arg16[%swap3A_19, %swap3A_20] : memref<1024x768xbf16, #tpu.memory_space<vmem>>, vector<256x768xbf16>
    tpu.vector_store %arg16[%swap3A_19, %swap3A_20], %get3A_18 {strides = array<i32>} : memref<1024x768xbf16, #tpu.memory_space<vmem>>, vector<256x768xbf16>,
    %get3A_22 = arith.constant 0 : index
    %get3A_23 = arith.constant 0 : index
    %get3A_24 = vector.load %arg5[%get3A_22, %get3A_23] : memref<256x768xbf16, #tpu.memory_space<vmem>>, vector<256x768xbf16>
    %swap3A_25 = arith.constant 512 : index
    %swap3A_26 = arith.constant 0 : index
    %swap3A_27 = vector.load %arg15[%swap3A_25, %swap3A_26] : memref<1024x768xbf16, #tpu.memory_space<vmem>>, vector<256x768xbf16>
    tpu.vector_store %arg15[%swap3A_25, %swap3A_26], %get3A_24 {strides = array<i32>} : memref<1024x768xbf16, #tpu.memory_space<vmem>>, vector<256x768xbf16>,
    %get3A_28 = arith.constant 0 : index
    %get3A_29 = arith.constant 0 : index
    %get3A_30 = vector.load %arg9[%get3A_28, %get3A_29] : memref<256x768xbf16, #tpu.memory_space<vmem>>, vector<256x768xbf16>
    %swap3A_31 = arith.constant 512 : index
    %swap3A_32 = arith.constant 0 : index
    %swap3A_33 = vector.load %arg16[%swap3A_31, %swap3A_32] : memref<1024x768xbf16, #tpu.memory_space<vmem>>, vector<256x768xbf16>
    tpu.vector_store %arg16[%swap3A_31, %swap3A_32], %get3A_30 {strides = array<i32>} : memref<1024x768xbf16, #tpu.memory_space<vmem>>, vector<256x768xbf16>,
    %get3A_34 = arith.constant 0 : index
    %get3A_35 = arith.constant 0 : index
    %get3A_36 = vector.load %arg6[%get3A_34, %get3A_35] : memref<256x768xbf16, #tpu.memory_space<vmem>>, vector<256x768xbf16>
    %swap3A_37 = arith.constant 768 : index
    %swap3A_38 = arith.constant 0 : index
    %swap3A_39 = vector.load %arg15[%swap3A_37, %swap3A_38] : memref<1024x768xbf16, #tpu.memory_space<vmem>>, vector<256x768xbf16>
    tpu.vector_store %arg15[%swap3A_37, %swap3A_38], %get3A_36 {strides = array<i32>} : memref<1024x768xbf16, #tpu.memory_space<vmem>>, vector<256x768xbf16>,
    %get3A_40 = arith.constant 0 : index
    %get3A_41 = arith.constant 0 : index
    %get3A_42 = vector.load %arg10[%get3A_40, %get3A_41] : memref<256x768xbf16, #tpu.memory_space<vmem>>, vector<256x768xbf16>
    %swap3A_43 = arith.constant 768 : index
    %swap3A_44 = arith.constant 0 : index
    %swap3A_45 = vector.load %arg16[%swap3A_43, %swap3A_44] : memref<1024x768xbf16, #tpu.memory_space<vmem>>, vector<256x768xbf16>
    tpu.vector_store %arg16[%swap3A_43, %swap3A_44], %get3A_42 {strides = array<i32>} : memref<1024x768xbf16, #tpu.memory_space<vmem>>, vector<256x768xbf16>,
    %get3A_46 = arith.constant 0 : index
    %get3A_47 = arith.constant 0 : index
    %get3A_48 = vector.load %arg2[%get3A_46, %get3A_47] : memref<256x768xbf16, #tpu.memory_space<vmem>>, vector<256x768xbf16>
    %slice3A = vector.extract_strided_slice %get3A_48 {offsets = [0, 0], sizes = [256, 64], strides = [1, 1]} : vector<256x768xbf16> to vector<256x64xbf16>
    %get3A_49 = arith.constant 0 : index
    %get3A_50 = arith.constant 0 : index
    %get3A_51 = vector.load %arg15[%get3A_49, %get3A_50] : memref<1024x768xbf16, #tpu.memory_space<vmem>>, vector<1024x64xbf16>
    %dot_general3A = arith.constant dense<0.000000e+00> : vector<256x1024xf32>
    %dot_general3A_52 = tpu.matmul %slice3A, %get3A_51, %dot_general3A {dimension_numbers = #tpu.dot_dimension_numbers<[1], [1], [0], [0], [0, 0, 1, 0], [], []>, transpose_lhs_hint = false} : vector<256x64xbf16>, vector<1024x64xbf16>, vector<256x1024xf32> -> vector<256x1024xf32>
    %mul3A = arith.constant 1.250000e-01 : f32
    %mul3A_53 = vector.broadcast %mul3A : f32 to vector<256x1024xf32>
    %mul3A_54 = arith.mulf %dot_general3A_52, %mul3A_53 : vector<256x1024xf32>
    %reduce_max3A = arith.constant dense<0xFF800000> : vector<256xf32>
    %reduce_max3A_55 = vector.multi_reduction <maximumf>, %mul3A_54, %reduce_max3A [1] : vector<256x1024xf32> to vector<256xf32>
    %broadcast_in_dim3A = vector.shape_cast %reduce_max3A_55 : vector<256xf32> to vector<256x1xf32>
    %sub3A = vector.broadcast %broadcast_in_dim3A : vector<256x1xf32> to vector<256x1024xf32>
    %sub3A_56 = arith.subf %mul3A_54, %sub3A : vector<256x1024xf32>
    %exp3A = math.exp %sub3A_56 : vector<256x1024xf32>
    %reduce_sum3A = arith.constant dense<0.000000e+00> : vector<256xf32>
    %reduce_sum3A_57 = vector.multi_reduction <add>, %exp3A, %reduce_sum3A [1] : vector<256x1024xf32> to vector<256xf32>
    %broadcast_in_dim3A_58 = vector.shape_cast %reduce_sum3A_57 : vector<256xf32> to vector<256x1xf32>
    %div3A = vector.broadcast %broadcast_in_dim3A_58 : vector<256x1xf32> to vector<256x1024xf32>
    %div3A_59 = arith.divf %exp3A, %div3A : vector<256x1024xf32>
    %get3A_60 = arith.constant 0 : index
    %get3A_61 = arith.constant 0 : index
    %get3A_62 = vector.load %arg16[%get3A_60, %get3A_61] : memref<1024x768xbf16, #tpu.memory_space<vmem>>, vector<1024x64xbf16>
    %convert_element_type3A = arith.extf %get3A_62 : vector<1024x64xbf16> to vector<1024x64xf32>
    %dot_general3A_63 = arith.constant dense<0.000000e+00> : vector<256x64xf32>
    %dot_general3A_64 = tpu.matmul %div3A_59, %convert_element_type3A, %dot_general3A_63 {dimension_numbers = #tpu.dot_dimension_numbers<[1], [0], [0], [1], [0, 0, 1, 1], [], []>, transpose_lhs_hint = false} : vector<256x1024xf32>, vector<1024x64xf32>, vector<256x64xf32> -> vector<256x64xf32>
    %swap3A_65 = arith.constant 0 : index
    %swap3A_66 = arith.constant 0 : index
    %swap3A_67 = vector.load %arg17[%swap3A_65, %swap3A_66] : memref<256x768xf32, #tpu.memory_space<vmem>>, vector<256x64xf32>
    tpu.vector_store %arg17[%swap3A_65, %swap3A_66], %dot_general3A_64 {strides = array<i32>} : memref<256x768xf32, #tpu.memory_space<vmem>>, vector<256x64xf32>,
    %slice3A_68 = vector.extract_strided_slice %get3A_48 {offsets = [0, 64], sizes = [256, 64], strides = [1, 1]} : vector<256x768xbf16> to vector<256x64xbf16>
    %get3A_69 = arith.constant 0 : index
    %get3A_70 = arith.constant 64 : index
    %get3A_71 = vector.load %arg15[%get3A_69, %get3A_70] : memref<1024x768xbf16, #tpu.memory_space<vmem>>, vector<1024x64xbf16>
    %dot_general3A_72 = arith.constant dense<0.000000e+00> : vector<256x1024xf32>
    %dot_general3A_73 = tpu.matmul %slice3A_68, %get3A_71, %dot_general3A_72 {dimension_numbers = #tpu.dot_dimension_numbers<[1], [1], [0], [0], [0, 0, 1, 0], [], []>, transpose_lhs_hint = false} : vector<256x64xbf16>, vector<1024x64xbf16>, vector<256x1024xf32> -> vector<256x1024xf32>
    %mul3A_74 = arith.constant 1.250000e-01 : f32
    %mul3A_75 = vector.broadcast %mul3A_74 : f32 to vector<256x1024xf32>
    %mul3A_76 = arith.mulf %dot_general3A_73, %mul3A_75 : vector<256x1024xf32>
    %reduce_max3A_77 = arith.constant dense<0xFF800000> : vector<256xf32>
    %reduce_max3A_78 = vector.multi_reduction <maximumf>, %mul3A_76, %reduce_max3A_77 [1] : vector<256x1024xf32> to vector<256xf32>
    %broadcast_in_dim3A_79 = vector.shape_cast %reduce_max3A_78 : vector<256xf32> to vector<256x1xf32>
    %sub3A_80 = vector.broadcast %broadcast_in_dim3A_79 : vector<256x1xf32> to vector<256x1024xf32>
    %sub3A_81 = arith.subf %mul3A_76, %sub3A_80 : vector<256x1024xf32>
    %exp3A_82 = math.exp %sub3A_81 : vector<256x1024xf32>
    %reduce_sum3A_83 = arith.constant dense<0.000000e+00> : vector<256xf32>
    %reduce_sum3A_84 = vector.multi_reduction <add>, %exp3A_82, %reduce_sum3A_83 [1] : vector<256x1024xf32> to vector<256xf32>
    %broadcast_in_dim3A_85 = vector.shape_cast %reduce_sum3A_84 : vector<256xf32> to vector<256x1xf32>
    %div3A_86 = vector.broadcast %broadcast_in_dim3A_85 : vector<256x1xf32> to vector<256x1024xf32>
    %div3A_87 = arith.divf %exp3A_82, %div3A_86 : vector<256x1024xf32>
    %get3A_88 = arith.constant 0 : index
    %get3A_89 = arith.constant 64 : index
    %get3A_90 = vector.load %arg16[%get3A_88, %get3A_89] : memref<1024x768xbf16, #tpu.memory_space<vmem>>, vector<1024x64xbf16>
    %convert_element_type3A_91 = arith.extf %get3A_90 : vector<1024x64xbf16> to vector<1024x64xf32>
    %dot_general3A_92 = arith.constant dense<0.000000e+00> : vector<256x64xf32>
    %dot_general3A_93 = tpu.matmul %div3A_87, %convert_element_type3A_91, %dot_general3A_92 {dimension_numbers = #tpu.dot_dimension_numbers<[1], [0], [0], [1], [0, 0, 1, 1], [], []>, transpose_lhs_hint = false} : vector<256x1024xf32>, vector<1024x64xf32>, vector<256x64xf32> -> vector<256x64xf32>
    %swap3A_94 = arith.constant 0 : index
    %swap3A_95 = arith.constant 64 : index
    %swap3A_96 = vector.load %arg17[%swap3A_94, %swap3A_95] : memref<256x768xf32, #tpu.memory_space<vmem>>, vector<256x64xf32>
    tpu.vector_store %arg17[%swap3A_94, %swap3A_95], %dot_general3A_93 {strides = array<i32>} : memref<256x768xf32, #tpu.memory_space<vmem>>, vector<256x64xf32>,
    %slice3A_97 = vector.extract_strided_slice %get3A_48 {offsets = [0, 128], sizes = [256, 64], strides = [1, 1]} : vector<256x768xbf16> to vector<256x64xbf16>
    %get3A_98 = arith.constant 0 : index
    %get3A_99 = arith.constant 128 : index
    %get3A_100 = vector.load %arg15[%get3A_98, %get3A_99] : memref<1024x768xbf16, #tpu.memory_space<vmem>>, vector<1024x64xbf16>
    %dot_general3A_101 = arith.constant dense<0.000000e+00> : vector<256x1024xf32>
    %dot_general3A_102 = tpu.matmul %slice3A_97, %get3A_100, %dot_general3A_101 {dimension_numbers = #tpu.dot_dimension_numbers<[1], [1], [0], [0], [0, 0, 1, 0], [], []>, transpose_lhs_hint = false} : vector<256x64xbf16>, vector<1024x64xbf16>, vector<256x1024xf32> -> vector<256x1024xf32>
    %mul3A_103 = arith.constant 1.250000e-01 : f32
    %mul3A_104 = vector.broadcast %mul3A_103 : f32 to vector<256x1024xf32>
    %mul3A_105 = arith.mulf %dot_general3A_102, %mul3A_104 : vector<256x1024xf32>
    %reduce_max3A_106 = arith.constant dense<0xFF800000> : vector<256xf32>
    %reduce_max3A_107 = vector.multi_reduction <maximumf>, %mul3A_105, %reduce_max3A_106 [1] : vector<256x1024xf32> to vector<256xf32>
    %broadcast_in_dim3A_108 = vector.shape_cast %reduce_max3A_107 : vector<256xf32> to vector<256x1xf32>
    %sub3A_109 = vector.broadcast %broadcast_in_dim3A_108 : vector<256x1xf32> to vector<256x1024xf32>
    %sub3A_110 = arith.subf %mul3A_105, %sub3A_109 : vector<256x1024xf32>
    %exp3A_111 = math.exp %sub3A_110 : vector<256x1024xf32>
    %reduce_sum3A_112 = arith.constant dense<0.000000e+00> : vector<256xf32>
    %reduce_sum3A_113 = vector.multi_reduction <add>, %exp3A_111, %reduce_sum3A_112 [1] : vector<256x1024xf32> to vector<256xf32>
    %broadcast_in_dim3A_114 = vector.shape_cast %reduce_sum3A_113 : vector<256xf32> to vector<256x1xf32>
    %div3A_115 = vector.broadcast %broadcast_in_dim3A_114 : vector<256x1xf32> to vector<256x1024xf32>
    %div3A_116 = arith.divf %exp3A_111, %div3A_115 : vector<256x1024xf32>
    %get3A_117 = arith.constant 0 : index
    %get3A_118 = arith.constant 128 : index
    %get3A_119 = vector.load %arg16[%get3A_117, %get3A_118] : memref<1024x768xbf16, #tpu.memory_space<vmem>>, vector<1024x64xbf16>
    %convert_element_type3A_120 = arith.extf %get3A_119 : vector<1024x64xbf16> to vector<1024x64xf32>
    %dot_general3A_121 = arith.constant dense<0.000000e+00> : vector<256x64xf32>
    %dot_general3A_122 = tpu.matmul %div3A_116, %convert_element_type3A_120, %dot_general3A_121 {dimension_numbers = #tpu.dot_dimension_numbers<[1], [0], [0], [1], [0, 0, 1, 1], [], []>, transpose_lhs_hint = false} : vector<256x1024xf32>, vector<1024x64xf32>, vector<256x64xf32> -> vector<256x64xf32>
    %swap3A_123 = arith.constant 0 : index
    %swap3A_124 = arith.constant 128 : index
    %swap3A_125 = vector.load %arg17[%swap3A_123, %swap3A_124] : memref<256x768xf32, #tpu.memory_space<vmem>>, vector<256x64xf32>
    tpu.vector_store %arg17[%swap3A_123, %swap3A_124], %dot_general3A_122 {strides = array<i32>} : memref<256x768xf32, #tpu.memory_space<vmem>>, vector<256x64xf32>,
    %slice3A_126 = vector.extract_strided_slice %get3A_48 {offsets = [0, 192], sizes = [256, 64], strides = [1, 1]} : vector<256x768xbf16> to vector<256x64xbf16>
    %get3A_127 = arith.constant 0 : index
    %get3A_128 = arith.constant 192 : index
    %get3A_129 = vector.load %arg15[%get3A_127, %get3A_128] : memref<1024x768xbf16, #tpu.memory_space<vmem>>, vector<1024x64xbf16>
    %dot_general3A_130 = arith.constant dense<0.000000e+00> : vector<256x1024xf32>
    %dot_general3A_131 = tpu.matmul %slice3A_126, %get3A_129, %dot_general3A_130 {dimension_numbers = #tpu.dot_dimension_numbers<[1], [1], [0], [0], [0, 0, 1, 0], [], []>, transpose_lhs_hint = false} : vector<256x64xbf16>, vector<1024x64xbf16>, vector<256x1024xf32> -> vector<256x1024xf32>
    %mul3A_132 = arith.constant 1.250000e-01 : f32
    %mul3A_133 = vector.broadcast %mul3A_132 : f32 to vector<256x1024xf32>
    %mul3A_134 = arith.mulf %dot_general3A_131, %mul3A_133 : vector<256x1024xf32>
    %reduce_max3A_135 = arith.constant dense<0xFF800000> : vector<256xf32>
    %reduce_max3A_136 = vector.multi_reduction <maximumf>, %mul3A_134, %reduce_max3A_135 [1] : vector<256x1024xf32> to vector<256xf32>
    %broadcast_in_dim3A_137 = vector.shape_cast %reduce_max3A_136 : vector<256xf32> to vector<256x1xf32>
    %sub3A_138 = vector.broadcast %broadcast_in_dim3A_137 : vector<256x1xf32> to vector<256x1024xf32>
    %sub3A_139 = arith.subf %mul3A_134, %sub3A_138 : vector<256x1024xf32>
    %exp3A_140 = math.exp %sub3A_139 : vector<256x1024xf32>
    %reduce_sum3A_141 = arith.constant dense<0.000000e+00> : vector<256xf32>
    %reduce_sum3A_142 = vector.multi_reduction <add>, %exp3A_140, %reduce_sum3A_141 [1] : vector<256x1024xf32> to vector<256xf32>
    %broadcast_in_dim3A_143 = vector.shape_cast %reduce_sum3A_142 : vector<256xf32> to vector<256x1xf32>
    %div3A_144 = vector.broadcast %broadcast_in_dim3A_143 : vector<256x1xf32> to vector<256x1024xf32>
    %div3A_145 = arith.divf %exp3A_140, %div3A_144 : vector<256x1024xf32>
    %get3A_146 = arith.constant 0 : index
    %get3A_147 = arith.constant 192 : index
    %get3A_148 = vector.load %arg16[%get3A_146, %get3A_147] : memref<1024x768xbf16, #tpu.memory_space<vmem>>, vector<1024x64xbf16>
    %convert_element_type3A_149 = arith.extf %get3A_148 : vector<1024x64xbf16> to vector<1024x64xf32>
    %dot_general3A_150 = arith.constant dense<0.000000e+00> : vector<256x64xf32>
    %dot_general3A_151 = tpu.matmul %div3A_145, %convert_element_type3A_149, %dot_general3A_150 {dimension_numbers = #tpu.dot_dimension_numbers<[1], [0], [0], [1], [0, 0, 1, 1], [], []>, transpose_lhs_hint = false} : vector<256x1024xf32>, vector<1024x64xf32>, vector<256x64xf32> -> vector<256x64xf32>
    %swap3A_152 = arith.constant 0 : index
    %swap3A_153 = arith.constant 192 : index
    %swap3A_154 = vector.load %arg17[%swap3A_152, %swap3A_153] : memref<256x768xf32, #tpu.memory_space<vmem>>, vector<256x64xf32>
    tpu.vector_store %arg17[%swap3A_152, %swap3A_153], %dot_general3A_151 {strides = array<i32>} : memref<256x768xf32, #tpu.memory_space<vmem>>, vector<256x64xf32>,
    %slice3A_155 = vector.extract_strided_slice %get3A_48 {offsets = [0, 256], sizes = [256, 64], strides = [1, 1]} : vector<256x768xbf16> to vector<256x64xbf16>
    %get3A_156 = arith.constant 0 : index
    %get3A_157 = arith.constant 256 : index
    %get3A_158 = vector.load %arg15[%get3A_156, %get3A_157] : memref<1024x768xbf16, #tpu.memory_space<vmem>>, vector<1024x64xbf16>
    %dot_general3A_159 = arith.constant dense<0.000000e+00> : vector<256x1024xf32>
    %dot_general3A_160 = tpu.matmul %slice3A_155, %get3A_158, %dot_general3A_159 {dimension_numbers = #tpu.dot_dimension_numbers<[1], [1], [0], [0], [0, 0, 1, 0], [], []>, transpose_lhs_hint = false} : vector<256x64xbf16>, vector<1024x64xbf16>, vector<256x1024xf32> -> vector<256x1024xf32>
    %mul3A_161 = arith.constant 1.250000e-01 : f32
    %mul3A_162 = vector.broadcast %mul3A_161 : f32 to vector<256x1024xf32>
    %mul3A_163 = arith.mulf %dot_general3A_160, %mul3A_162 : vector<256x1024xf32>
    %reduce_max3A_164 = arith.constant dense<0xFF800000> : vector<256xf32>
    %reduce_max3A_165 = vector.multi_reduction <maximumf>, %mul3A_163, %reduce_max3A_164 [1] : vector<256x1024xf32> to vector<256xf32>
    %broadcast_in_dim3A_166 = vector.shape_cast %reduce_max3A_165 : vector<256xf32> to vector<256x1xf32>
    %sub3A_167 = vector.broadcast %broadcast_in_dim3A_166 : vector<256x1xf32> to vector<256x1024xf32>
    %sub3A_168 = arith.subf %mul3A_163, %sub3A_167 : vector<256x1024xf32>
    %exp3A_169 = math.exp %sub3A_168 : vector<256x1024xf32>
    %reduce_sum3A_170 = arith.constant dense<0.000000e+00> : vector<256xf32>
    %reduce_sum3A_171 = vector.multi_reduction <add>, %exp3A_169, %reduce_sum3A_170 [1] : vector<256x1024xf32> to vector<256xf32>
    %broadcast_in_dim3A_172 = vector.shape_cast %reduce_sum3A_171 : vector<256xf32> to vector<256x1xf32>
    %div3A_173 = vector.broadcast %broadcast_in_dim3A_172 : vector<256x1xf32> to vector<256x1024xf32>
    %div3A_174 = arith.divf %exp3A_169, %div3A_173 : vector<256x1024xf32>
    %get3A_175 = arith.constant 0 : index
    %get3A_176 = arith.constant 256 : index
    %get3A_177 = vector.load %arg16[%get3A_175, %get3A_176] : memref<1024x768xbf16, #tpu.memory_space<vmem>>, vector<1024x64xbf16>
    %convert_element_type3A_178 = arith.extf %get3A_177 : vector<1024x64xbf16> to vector<1024x64xf32>
    %dot_general3A_179 = arith.constant dense<0.000000e+00> : vector<256x64xf32>
    %dot_general3A_180 = tpu.matmul %div3A_174, %convert_element_type3A_178, %dot_general3A_179 {dimension_numbers = #tpu.dot_dimension_numbers<[1], [0], [0], [1], [0, 0, 1, 1], [], []>, transpose_lhs_hint = false} : vector<256x1024xf32>, vector<1024x64xf32>, vector<256x64xf32> -> vector<256x64xf32>
    %swap3A_181 = arith.constant 0 : index
    %swap3A_182 = arith.constant 256 : index
    %swap3A_183 = vector.load %arg17[%swap3A_181, %swap3A_182] : memref<256x768xf32, #tpu.memory_space<vmem>>, vector<256x64xf32>
    tpu.vector_store %arg17[%swap3A_181, %swap3A_182], %dot_general3A_180 {strides = array<i32>} : memref<256x768xf32, #tpu.memory_space<vmem>>, vector<256x64xf32>,
    %slice3A_184 = vector.extract_strided_slice %get3A_48 {offsets = [0, 320], sizes = [256, 64], strides = [1, 1]} : vector<256x768xbf16> to vector<256x64xbf16>
    %get3A_185 = arith.constant 0 : index
    %get3A_186 = arith.constant 320 : index
    %get3A_187 = vector.load %arg15[%get3A_185, %get3A_186] : memref<1024x768xbf16, #tpu.memory_space<vmem>>, vector<1024x64xbf16>
    %dot_general3A_188 = arith.constant dense<0.000000e+00> : vector<256x1024xf32>
    %dot_general3A_189 = tpu.matmul %slice3A_184, %get3A_187, %dot_general3A_188 {dimension_numbers = #tpu.dot_dimension_numbers<[1], [1], [0], [0], [0, 0, 1, 0], [], []>, transpose_lhs_hint = false} : vector<256x64xbf16>, vector<1024x64xbf16>, vector<256x1024xf32> -> vector<256x1024xf32>
    %mul3A_190 = arith.constant 1.250000e-01 : f32
    %mul3A_191 = vector.broadcast %mul3A_190 : f32 to vector<256x1024xf32>
    %mul3A_192 = arith.mulf %dot_general3A_189, %mul3A_191 : vector<256x1024xf32>
    %reduce_max3A_193 = arith.constant dense<0xFF800000> : vector<256xf32>
    %reduce_max3A_194 = vector.multi_reduction <maximumf>, %mul3A_192, %reduce_max3A_193 [1] : vector<256x1024xf32> to vector<256xf32>
    %broadcast_in_dim3A_195 = vector.shape_cast %reduce_max3A_194 : vector<256xf32> to vector<256x1xf32>
    %sub3A_196 = vector.broadcast %broadcast_in_dim3A_195 : vector<256x1xf32> to vector<256x1024xf32>
    %sub3A_197 = arith.subf %mul3A_192, %sub3A_196 : vector<256x1024xf32>
    %exp3A_198 = math.exp %sub3A_197 : vector<256x1024xf32>
    %reduce_sum3A_199 = arith.constant dense<0.000000e+00> : vector<256xf32>
    %reduce_sum3A_200 = vector.multi_reduction <add>, %exp3A_198, %reduce_sum3A_199 [1] : vector<256x1024xf32> to vector<256xf32>
    %broadcast_in_dim3A_201 = vector.shape_cast %reduce_sum3A_200 : vector<256xf32> to vector<256x1xf32>
    %div3A_202 = vector.broadcast %broadcast_in_dim3A_201 : vector<256x1xf32> to vector<256x1024xf32>
    %div3A_203 = arith.divf %exp3A_198, %div3A_202 : vector<256x1024xf32>
    %get3A_204 = arith.constant 0 : index
    %get3A_205 = arith.constant 320 : index
    %get3A_206 = vector.load %arg16[%get3A_204, %get3A_205] : memref<1024x768xbf16, #tpu.memory_space<vmem>>, vector<1024x64xbf16>
    %convert_element_type3A_207 = arith.extf %get3A_206 : vector<1024x64xbf16> to vector<1024x64xf32>
    %dot_general3A_208 = arith.constant dense<0.000000e+00> : vector<256x64xf32>
    %dot_general3A_209 = tpu.matmul %div3A_203, %convert_element_type3A_207, %dot_general3A_208 {dimension_numbers = #tpu.dot_dimension_numbers<[1], [0], [0], [1], [0, 0, 1, 1], [], []>, transpose_lhs_hint = false} : vector<256x1024xf32>, vector<1024x64xf32>, vector<256x64xf32> -> vector<256x64xf32>
    %swap3A_210 = arith.constant 0 : index
    %swap3A_211 = arith.constant 320 : index
    %swap3A_212 = vector.load %arg17[%swap3A_210, %swap3A_211] : memref<256x768xf32, #tpu.memory_space<vmem>>, vector<256x64xf32>
    tpu.vector_store %arg17[%swap3A_210, %swap3A_211], %dot_general3A_209 {strides = array<i32>} : memref<256x768xf32, #tpu.memory_space<vmem>>, vector<256x64xf32>,
    %slice3A_213 = vector.extract_strided_slice %get3A_48 {offsets = [0, 384], sizes = [256, 64], strides = [1, 1]} : vector<256x768xbf16> to vector<256x64xbf16>
    %get3A_214 = arith.constant 0 : index
    %get3A_215 = arith.constant 384 : index
    %get3A_216 = vector.load %arg15[%get3A_214, %get3A_215] : memref<1024x768xbf16, #tpu.memory_space<vmem>>, vector<1024x64xbf16>
    %dot_general3A_217 = arith.constant dense<0.000000e+00> : vector<256x1024xf32>
    %dot_general3A_218 = tpu.matmul %slice3A_213, %get3A_216, %dot_general3A_217 {dimension_numbers = #tpu.dot_dimension_numbers<[1], [1], [0], [0], [0, 0, 1, 0], [], []>, transpose_lhs_hint = false} : vector<256x64xbf16>, vector<1024x64xbf16>, vector<256x1024xf32> -> vector<256x1024xf32>
    %mul3A_219 = arith.constant 1.250000e-01 : f32
    %mul3A_220 = vector.broadcast %mul3A_219 : f32 to vector<256x1024xf32>
    %mul3A_221 = arith.mulf %dot_general3A_218, %mul3A_220 : vector<256x1024xf32>
    %reduce_max3A_222 = arith.constant dense<0xFF800000> : vector<256xf32>
    %reduce_max3A_223 = vector.multi_reduction <maximumf>, %mul3A_221, %reduce_max3A_222 [1] : vector<256x1024xf32> to vector<256xf32>
    %broadcast_in_dim3A_224 = vector.shape_cast %reduce_max3A_223 : vector<256xf32> to vector<256x1xf32>
    %sub3A_225 = vector.broadcast %broadcast_in_dim3A_224 : vector<256x1xf32> to vector<256x1024xf32>
    %sub3A_226 = arith.subf %mul3A_221, %sub3A_225 : vector<256x1024xf32>
    %exp3A_227 = math.exp %sub3A_226 : vector<256x1024xf32>
    %reduce_sum3A_228 = arith.constant dense<0.000000e+00> : vector<256xf32>
    %reduce_sum3A_229 = vector.multi_reduction <add>, %exp3A_227, %reduce_sum3A_228 [1] : vector<256x1024xf32> to vector<256xf32>
    %broadcast_in_dim3A_230 = vector.shape_cast %reduce_sum3A_229 : vector<256xf32> to vector<256x1xf32>
    %div3A_231 = vector.broadcast %broadcast_in_dim3A_230 : vector<256x1xf32> to vector<256x1024xf32>
    %div3A_232 = arith.divf %exp3A_227, %div3A_231 : vector<256x1024xf32>
    %get3A_233 = arith.constant 0 : index
    %get3A_234 = arith.constant 384 : index
    %get3A_235 = vector.load %arg16[%get3A_233, %get3A_234] : memref<1024x768xbf16, #tpu.memory_space<vmem>>, vector<1024x64xbf16>
    %convert_element_type3A_236 = arith.extf %get3A_235 : vector<1024x64xbf16> to vector<1024x64xf32>
    %dot_general3A_237 = arith.constant dense<0.000000e+00> : vector<256x64xf32>
    %dot_general3A_238 = tpu.matmul %div3A_232, %convert_element_type3A_236, %dot_general3A_237 {dimension_numbers = #tpu.dot_dimension_numbers<[1], [0], [0], [1], [0, 0, 1, 1], [], []>, transpose_lhs_hint = false} : vector<256x1024xf32>, vector<1024x64xf32>, vector<256x64xf32> -> vector<256x64xf32>
    %swap3A_239 = arith.constant 0 : index
    %swap3A_240 = arith.constant 384 : index
    %swap3A_241 = vector.load %arg17[%swap3A_239, %swap3A_240] : memref<256x768xf32, #tpu.memory_space<vmem>>, vector<256x64xf32>
    tpu.vector_store %arg17[%swap3A_239, %swap3A_240], %dot_general3A_238 {strides = array<i32>} : memref<256x768xf32, #tpu.memory_space<vmem>>, vector<256x64xf32>,
    %slice3A_242 = vector.extract_strided_slice %get3A_48 {offsets = [0, 448], sizes = [256, 64], strides = [1, 1]} : vector<256x768xbf16> to vector<256x64xbf16>
    %get3A_243 = arith.constant 0 : index
    %get3A_244 = arith.constant 448 : index
    %get3A_245 = vector.load %arg15[%get3A_243, %get3A_244] : memref<1024x768xbf16, #tpu.memory_space<vmem>>, vector<1024x64xbf16>
    %dot_general3A_246 = arith.constant dense<0.000000e+00> : vector<256x1024xf32>
    %dot_general3A_247 = tpu.matmul %slice3A_242, %get3A_245, %dot_general3A_246 {dimension_numbers = #tpu.dot_dimension_numbers<[1], [1], [0], [0], [0, 0, 1, 0], [], []>, transpose_lhs_hint = false} : vector<256x64xbf16>, vector<1024x64xbf16>, vector<256x1024xf32> -> vector<256x1024xf32>
    %mul3A_248 = arith.constant 1.250000e-01 : f32
    %mul3A_249 = vector.broadcast %mul3A_248 : f32 to vector<256x1024xf32>
    %mul3A_250 = arith.mulf %dot_general3A_247, %mul3A_249 : vector<256x1024xf32>
    %reduce_max3A_251 = arith.constant dense<0xFF800000> : vector<256xf32>
    %reduce_max3A_252 = vector.multi_reduction <maximumf>, %mul3A_250, %reduce_max3A_251 [1] : vector<256x1024xf32> to vector<256xf32>
    %broadcast_in_dim3A_253 = vector.shape_cast %reduce_max3A_252 : vector<256xf32> to vector<256x1xf32>
    %sub3A_254 = vector.broadcast %broadcast_in_dim3A_253 : vector<256x1xf32> to vector<256x1024xf32>
    %sub3A_255 = arith.subf %mul3A_250, %sub3A_254 : vector<256x1024xf32>
    %exp3A_256 = math.exp %sub3A_255 : vector<256x1024xf32>
    %reduce_sum3A_257 = arith.constant dense<0.000000e+00> : vector<256xf32>
    %reduce_sum3A_258 = vector.multi_reduction <add>, %exp3A_256, %reduce_sum3A_257 [1] : vector<256x1024xf32> to vector<256xf32>
    %broadcast_in_dim3A_259 = vector.shape_cast %reduce_sum3A_258 : vector<256xf32> to vector<256x1xf32>
    %div3A_260 = vector.broadcast %broadcast_in_dim3A_259 : vector<256x1xf32> to vector<256x1024xf32>
    %div3A_261 = arith.divf %exp3A_256, %div3A_260 : vector<256x1024xf32>
    %get3A_262 = arith.constant 0 : index
    %get3A_263 = arith.constant 448 : index
    %get3A_264 = vector.load %arg16[%get3A_262, %get3A_263] : memref<1024x768xbf16, #tpu.memory_space<vmem>>, vector<1024x64xbf16>
    %convert_element_type3A_265 = arith.extf %get3A_264 : vector<1024x64xbf16> to vector<1024x64xf32>
    %dot_general3A_266 = arith.constant dense<0.000000e+00> : vector<256x64xf32>
    %dot_general3A_267 = tpu.matmul %div3A_261, %convert_element_type3A_265, %dot_general3A_266 {dimension_numbers = #tpu.dot_dimension_numbers<[1], [0], [0], [1], [0, 0, 1, 1], [], []>, transpose_lhs_hint = false} : vector<256x1024xf32>, vector<1024x64xf32>, vector<256x64xf32> -> vector<256x64xf32>
    %swap3A_268 = arith.constant 0 : index
    %swap3A_269 = arith.constant 448 : index
    %swap3A_270 = vector.load %arg17[%swap3A_268, %swap3A_269] : memref<256x768xf32, #tpu.memory_space<vmem>>, vector<256x64xf32>
    tpu.vector_store %arg17[%swap3A_268, %swap3A_269], %dot_general3A_267 {strides = array<i32>} : memref<256x768xf32, #tpu.memory_space<vmem>>, vector<256x64xf32>,
    %slice3A_271 = vector.extract_strided_slice %get3A_48 {offsets = [0, 512], sizes = [256, 64], strides = [1, 1]} : vector<256x768xbf16> to vector<256x64xbf16>
    %get3A_272 = arith.constant 0 : index
    %get3A_273 = arith.constant 512 : index
    %get3A_274 = vector.load %arg15[%get3A_272, %get3A_273] : memref<1024x768xbf16, #tpu.memory_space<vmem>>, vector<1024x64xbf16>
    %dot_general3A_275 = arith.constant dense<0.000000e+00> : vector<256x1024xf32>
    %dot_general3A_276 = tpu.matmul %slice3A_271, %get3A_274, %dot_general3A_275 {dimension_numbers = #tpu.dot_dimension_numbers<[1], [1], [0], [0], [0, 0, 1, 0], [], []>, transpose_lhs_hint = false} : vector<256x64xbf16>, vector<1024x64xbf16>, vector<256x1024xf32> -> vector<256x1024xf32>
    %mul3A_277 = arith.constant 1.250000e-01 : f32
    %mul3A_278 = vector.broadcast %mul3A_277 : f32 to vector<256x1024xf32>
    %mul3A_279 = arith.mulf %dot_general3A_276, %mul3A_278 : vector<256x1024xf32>
    %reduce_max3A_280 = arith.constant dense<0xFF800000> : vector<256xf32>
    %reduce_max3A_281 = vector.multi_reduction <maximumf>, %mul3A_279, %reduce_max3A_280 [1] : vector<256x1024xf32> to vector<256xf32>
    %broadcast_in_dim3A_282 = vector.shape_cast %reduce_max3A_281 : vector<256xf32> to vector<256x1xf32>
    %sub3A_283 = vector.broadcast %broadcast_in_dim3A_282 : vector<256x1xf32> to vector<256x1024xf32>
    %sub3A_284 = arith.subf %mul3A_279, %sub3A_283 : vector<256x1024xf32>
    %exp3A_285 = math.exp %sub3A_284 : vector<256x1024xf32>
    %reduce_sum3A_286 = arith.constant dense<0.000000e+00> : vector<256xf32>
    %reduce_sum3A_287 = vector.multi_reduction <add>, %exp3A_285, %reduce_sum3A_286 [1] : vector<256x1024xf32> to vector<256xf32>
    %broadcast_in_dim3A_288 = vector.shape_cast %reduce_sum3A_287 : vector<256xf32> to vector<256x1xf32>
    %div3A_289 = vector.broadcast %broadcast_in_dim3A_288 : vector<256x1xf32> to vector<256x1024xf32>
    %div3A_290 = arith.divf %exp3A_285, %div3A_289 : vector<256x1024xf32>
    %get3A_291 = arith.constant 0 : index
    %get3A_292 = arith.constant 512 : index
    %get3A_293 = vector.load %arg16[%get3A_291, %get3A_292] : memref<1024x768xbf16, #tpu.memory_space<vmem>>, vector<1024x64xbf16>
    %convert_element_type3A_294 = arith.extf %get3A_293 : vector<1024x64xbf16> to vector<1024x64xf32>
    %dot_general3A_295 = arith.constant dense<0.000000e+00> : vector<256x64xf32>
    %dot_general3A_296 = tpu.matmul %div3A_290, %convert_element_type3A_294, %dot_general3A_295 {dimension_numbers = #tpu.dot_dimension_numbers<[1], [0], [0], [1], [0, 0, 1, 1], [], []>, transpose_lhs_hint = false} : vector<256x1024xf32>, vector<1024x64xf32>, vector<256x64xf32> -> vector<256x64xf32>
    %swap3A_297 = arith.constant 0 : index
    %swap3A_298 = arith.constant 512 : index
    %swap3A_299 = vector.load %arg17[%swap3A_297, %swap3A_298] : memref<256x768xf32, #tpu.memory_space<vmem>>, vector<256x64xf32>
    tpu.vector_store %arg17[%swap3A_297, %swap3A_298], %dot_general3A_296 {strides = array<i32>} : memref<256x768xf32, #tpu.memory_space<vmem>>, vector<256x64xf32>,
    %slice3A_300 = vector.extract_strided_slice %get3A_48 {offsets = [0, 576], sizes = [256, 64], strides = [1, 1]} : vector<256x768xbf16> to vector<256x64xbf16>
    %get3A_301 = arith.constant 0 : index
    %get3A_302 = arith.constant 576 : index
    %get3A_303 = vector.load %arg15[%get3A_301, %get3A_302] : memref<1024x768xbf16, #tpu.memory_space<vmem>>, vector<1024x64xbf16>
    %dot_general3A_304 = arith.constant dense<0.000000e+00> : vector<256x1024xf32>
    %dot_general3A_305 = tpu.matmul %slice3A_300, %get3A_303, %dot_general3A_304 {dimension_numbers = #tpu.dot_dimension_numbers<[1], [1], [0], [0], [0, 0, 1, 0], [], []>, transpose_lhs_hint = false} : vector<256x64xbf16>, vector<1024x64xbf16>, vector<256x1024xf32> -> vector<256x1024xf32>
    %mul3A_306 = arith.constant 1.250000e-01 : f32
    %mul3A_307 = vector.broadcast %mul3A_306 : f32 to vector<256x1024xf32>
    %mul3A_308 = arith.mulf %dot_general3A_305, %mul3A_307 : vector<256x1024xf32>
    %reduce_max3A_309 = arith.constant dense<0xFF800000> : vector<256xf32>
    %reduce_max3A_310 = vector.multi_reduction <maximumf>, %mul3A_308, %reduce_max3A_309 [1] : vector<256x1024xf32> to vector<256xf32>
    %broadcast_in_dim3A_311 = vector.shape_cast %reduce_max3A_310 : vector<256xf32> to vector<256x1xf32>
    %sub3A_312 = vector.broadcast %broadcast_in_dim3A_311 : vector<256x1xf32> to vector<256x1024xf32>
    %sub3A_313 = arith.subf %mul3A_308, %sub3A_312 : vector<256x1024xf32>
    %exp3A_314 = math.exp %sub3A_313 : vector<256x1024xf32>
    %reduce_sum3A_315 = arith.constant dense<0.000000e+00> : vector<256xf32>
    %reduce_sum3A_316 = vector.multi_reduction <add>, %exp3A_314, %reduce_sum3A_315 [1] : vector<256x1024xf32> to vector<256xf32>
    %broadcast_in_dim3A_317 = vector.shape_cast %reduce_sum3A_316 : vector<256xf32> to vector<256x1xf32>
    %div3A_318 = vector.broadcast %broadcast_in_dim3A_317 : vector<256x1xf32> to vector<256x1024xf32>
    %div3A_319 = arith.divf %exp3A_314, %div3A_318 : vector<256x1024xf32>
    %get3A_320 = arith.constant 0 : index
    %get3A_321 = arith.constant 576 : index
    %get3A_322 = vector.load %arg16[%get3A_320, %get3A_321] : memref<1024x768xbf16, #tpu.memory_space<vmem>>, vector<1024x64xbf16>
    %convert_element_type3A_323 = arith.extf %get3A_322 : vector<1024x64xbf16> to vector<1024x64xf32>
    %dot_general3A_324 = arith.constant dense<0.000000e+00> : vector<256x64xf32>
    %dot_general3A_325 = tpu.matmul %div3A_319, %convert_element_type3A_323, %dot_general3A_324 {dimension_numbers = #tpu.dot_dimension_numbers<[1], [0], [0], [1], [0, 0, 1, 1], [], []>, transpose_lhs_hint = false} : vector<256x1024xf32>, vector<1024x64xf32>, vector<256x64xf32> -> vector<256x64xf32>
    %swap3A_326 = arith.constant 0 : index
    %swap3A_327 = arith.constant 576 : index
    %swap3A_328 = vector.load %arg17[%swap3A_326, %swap3A_327] : memref<256x768xf32, #tpu.memory_space<vmem>>, vector<256x64xf32>
    tpu.vector_store %arg17[%swap3A_326, %swap3A_327], %dot_general3A_325 {strides = array<i32>} : memref<256x768xf32, #tpu.memory_space<vmem>>, vector<256x64xf32>,
    %slice3A_329 = vector.extract_strided_slice %get3A_48 {offsets = [0, 640], sizes = [256, 64], strides = [1, 1]} : vector<256x768xbf16> to vector<256x64xbf16>
    %get3A_330 = arith.constant 0 : index
    %get3A_331 = arith.constant 640 : index
    %get3A_332 = vector.load %arg15[%get3A_330, %get3A_331] : memref<1024x768xbf16, #tpu.memory_space<vmem>>, vector<1024x64xbf16>
    %dot_general3A_333 = arith.constant dense<0.000000e+00> : vector<256x1024xf32>
    %dot_general3A_334 = tpu.matmul %slice3A_329, %get3A_332, %dot_general3A_333 {dimension_numbers = #tpu.dot_dimension_numbers<[1], [1], [0], [0], [0, 0, 1, 0], [], []>, transpose_lhs_hint = false} : vector<256x64xbf16>, vector<1024x64xbf16>, vector<256x1024xf32> -> vector<256x1024xf32>
    %mul3A_335 = arith.constant 1.250000e-01 : f32
    %mul3A_336 = vector.broadcast %mul3A_335 : f32 to vector<256x1024xf32>
    %mul3A_337 = arith.mulf %dot_general3A_334, %mul3A_336 : vector<256x1024xf32>
    %reduce_max3A_338 = arith.constant dense<0xFF800000> : vector<256xf32>
    %reduce_max3A_339 = vector.multi_reduction <maximumf>, %mul3A_337, %reduce_max3A_338 [1] : vector<256x1024xf32> to vector<256xf32>
    %broadcast_in_dim3A_340 = vector.shape_cast %reduce_max3A_339 : vector<256xf32> to vector<256x1xf32>
    %sub3A_341 = vector.broadcast %broadcast_in_dim3A_340 : vector<256x1xf32> to vector<256x1024xf32>
    %sub3A_342 = arith.subf %mul3A_337, %sub3A_341 : vector<256x1024xf32>
    %exp3A_343 = math.exp %sub3A_342 : vector<256x1024xf32>
    %reduce_sum3A_344 = arith.constant dense<0.000000e+00> : vector<256xf32>
    %reduce_sum3A_345 = vector.multi_reduction <add>, %exp3A_343, %reduce_sum3A_344 [1] : vector<256x1024xf32> to vector<256xf32>
    %broadcast_in_dim3A_346 = vector.shape_cast %reduce_sum3A_345 : vector<256xf32> to vector<256x1xf32>
    %div3A_347 = vector.broadcast %broadcast_in_dim3A_346 : vector<256x1xf32> to vector<256x1024xf32>
    %div3A_348 = arith.divf %exp3A_343, %div3A_347 : vector<256x1024xf32>
    %get3A_349 = arith.constant 0 : index
    %get3A_350 = arith.constant 640 : index
    %get3A_351 = vector.load %arg16[%get3A_349, %get3A_350] : memref<1024x768xbf16, #tpu.memory_space<vmem>>, vector<1024x64xbf16>
    %convert_element_type3A_352 = arith.extf %get3A_351 : vector<1024x64xbf16> to vector<1024x64xf32>
    %dot_general3A_353 = arith.constant dense<0.000000e+00> : vector<256x64xf32>
    %dot_general3A_354 = tpu.matmul %div3A_348, %convert_element_type3A_352, %dot_general3A_353 {dimension_numbers = #tpu.dot_dimension_numbers<[1], [0], [0], [1], [0, 0, 1, 1], [], []>, transpose_lhs_hint = false} : vector<256x1024xf32>, vector<1024x64xf32>, vector<256x64xf32> -> vector<256x64xf32>
    %swap3A_355 = arith.constant 0 : index
    %swap3A_356 = arith.constant 640 : index
    %swap3A_357 = vector.load %arg17[%swap3A_355, %swap3A_356] : memref<256x768xf32, #tpu.memory_space<vmem>>, vector<256x64xf32>
    tpu.vector_store %arg17[%swap3A_355, %swap3A_356], %dot_general3A_354 {strides = array<i32>} : memref<256x768xf32, #tpu.memory_space<vmem>>, vector<256x64xf32>,
    %slice3A_358 = vector.extract_strided_slice %get3A_48 {offsets = [0, 704], sizes = [256, 64], strides = [1, 1]} : vector<256x768xbf16> to vector<256x64xbf16>
    %get3A_359 = arith.constant 0 : index
    %get3A_360 = arith.constant 704 : index
    %get3A_361 = vector.load %arg15[%get3A_359, %get3A_360] : memref<1024x768xbf16, #tpu.memory_space<vmem>>, vector<1024x64xbf16>
    %dot_general3A_362 = arith.constant dense<0.000000e+00> : vector<256x1024xf32>
    %dot_general3A_363 = tpu.matmul %slice3A_358, %get3A_361, %dot_general3A_362 {dimension_numbers = #tpu.dot_dimension_numbers<[1], [1], [0], [0], [0, 0, 1, 0], [], []>, transpose_lhs_hint = false} : vector<256x64xbf16>, vector<1024x64xbf16>, vector<256x1024xf32> -> vector<256x1024xf32>
    %mul3A_364 = arith.constant 1.250000e-01 : f32
    %mul3A_365 = vector.broadcast %mul3A_364 : f32 to vector<256x1024xf32>
    %mul3A_366 = arith.mulf %dot_general3A_363, %mul3A_365 : vector<256x1024xf32>
    %reduce_max3A_367 = arith.constant dense<0xFF800000> : vector<256xf32>
    %reduce_max3A_368 = vector.multi_reduction <maximumf>, %mul3A_366, %reduce_max3A_367 [1] : vector<256x1024xf32> to vector<256xf32>
    %broadcast_in_dim3A_369 = vector.shape_cast %reduce_max3A_368 : vector<256xf32> to vector<256x1xf32>
    %sub3A_370 = vector.broadcast %broadcast_in_dim3A_369 : vector<256x1xf32> to vector<256x1024xf32>
    %sub3A_371 = arith.subf %mul3A_366, %sub3A_370 : vector<256x1024xf32>
    %exp3A_372 = math.exp %sub3A_371 : vector<256x1024xf32>
    %reduce_sum3A_373 = arith.constant dense<0.000000e+00> : vector<256xf32>
    %reduce_sum3A_374 = vector.multi_reduction <add>, %exp3A_372, %reduce_sum3A_373 [1] : vector<256x1024xf32> to vector<256xf32>
    %broadcast_in_dim3A_375 = vector.shape_cast %reduce_sum3A_374 : vector<256xf32> to vector<256x1xf32>
    %div3A_376 = vector.broadcast %broadcast_in_dim3A_375 : vector<256x1xf32> to vector<256x1024xf32>
    %div3A_377 = arith.divf %exp3A_372, %div3A_376 : vector<256x1024xf32>
    %get3A_378 = arith.constant 0 : index
    %get3A_379 = arith.constant 704 : index
    %get3A_380 = vector.load %arg16[%get3A_378, %get3A_379] : memref<1024x768xbf16, #tpu.memory_space<vmem>>, vector<1024x64xbf16>
    %convert_element_type3A_381 = arith.extf %get3A_380 : vector<1024x64xbf16> to vector<1024x64xf32>
    %dot_general3A_382 = arith.constant dense<0.000000e+00> : vector<256x64xf32>
    %dot_general3A_383 = tpu.matmul %div3A_377, %convert_element_type3A_381, %dot_general3A_382 {dimension_numbers = #tpu.dot_dimension_numbers<[1], [0], [0], [1], [0, 0, 1, 1], [], []>, transpose_lhs_hint = false} : vector<256x1024xf32>, vector<1024x64xf32>, vector<256x64xf32> -> vector<256x64xf32>
    %swap3A_384 = arith.constant 0 : index
    %swap3A_385 = arith.constant 704 : index
    %swap3A_386 = vector.load %arg17[%swap3A_384, %swap3A_385] : memref<256x768xf32, #tpu.memory_space<vmem>>, vector<256x64xf32>
    tpu.vector_store %arg17[%swap3A_384, %swap3A_385], %dot_general3A_383 {strides = array<i32>} : memref<256x768xf32, #tpu.memory_space<vmem>>, vector<256x64xf32>,
    %get3A_387 = arith.constant 0 : index
    %get3A_388 = arith.constant 0 : index
    %get3A_389 = vector.load %arg11[%get3A_387, %get3A_388] : memref<256x768xf32, #tpu.memory_space<vmem>>, vector<256x768xf32>
    %get3A_390 = arith.constant 0 : index
    %get3A_391 = arith.constant 0 : index
    %get3A_392 = vector.load %arg17[%get3A_390, %get3A_391] : memref<256x768xf32, #tpu.memory_space<vmem>>, vector<256x768xf32>
    %get3A_393 = arith.constant 0 : index
    %get3A_394 = arith.constant 0 : index
    %get3A_395 = vector.load %arg12[%get3A_393, %get3A_394] : memref<768x768xf32, #tpu.memory_space<vmem>>, vector<768x768xf32>
    %dot_general3A_396 = arith.constant dense<0.000000e+00> : vector<256x768xf32>
    %dot_general3A_397 = tpu.matmul %get3A_392, %get3A_395, %dot_general3A_396 {dimension_numbers = #tpu.dot_dimension_numbers<[1], [0], [0], [1], [0, 0, 1, 1], [], []>, transpose_lhs_hint = false} : vector<256x768xf32>, vector<768x768xf32>, vector<256x768xf32> -> vector<256x768xf32>
    %add3A = arith.addf %get3A_389, %dot_general3A_397 : vector<256x768xf32>
    %get3A_398 = arith.constant 0 : index
    %get3A_399 = vector.load %arg13[%get3A_398] : memref<768xf32, #tpu.memory_space<vmem>>, vector<768xf32>
    %broadcast_in_dim3A_400 = vector.shape_cast %get3A_399 : vector<768xf32> to vector<1x768xf32>
    %add3A_401 = vector.broadcast %broadcast_in_dim3A_400 : vector<1x768xf32> to vector<256x768xf32>
    %add3A_402 = arith.addf %add3A, %add3A_401 : vector<256x768xf32>
    %swap3A_403 = arith.constant 0 : index
    %swap3A_404 = arith.constant 0 : index
    %swap3A_405 = vector.load %arg14[%swap3A_403, %swap3A_404] : memref<256x768xf32, #tpu.memory_space<vmem>>, vector<256x768xf32>
    tpu.vector_store %arg14[%swap3A_403, %swap3A_404], %add3A_402 {strides = array<i32>} : memref<256x768xf32, #tpu.memory_space<vmem>>, vector<256x768xf32>,
    return
  }
  func.func @transform_0(%arg0: i32, %arg1: memref<64xi32, #tpu.memory_space<smem>>) -> (i32, i32) {
    %c0_i32 = arith.constant 0 : i32
    %c0_i32_0 = arith.constant 0 : i32
    return %arg0, %c0_i32 : i32, i32
  }
  func.func @transform_1(%arg0: i32, %arg1: memref<64xi32, #tpu.memory_space<smem>>) -> (i32, i32) {
    %mul3A = arith.constant 4 : i32
    %mul3A_0 = arith.muli %mul3A, %arg0 : i32
    %add3A = arith.constant 0 : i32
    %add3A_1 = arith.addi %mul3A_0, %add3A : i32
    %get3A = arith.index_cast %add3A_1 : i32 to index
    %get3A_2 = memref.load %arg1[%get3A] : memref<64xi32, #tpu.memory_space<smem>>
    %c0_i32 = arith.constant 0 : i32
    %c0_i32_3 = arith.constant 0 : i32
    return %get3A_2, %c0_i32 : i32, i32
  }
  func.func @transform_2(%arg0: i32, %arg1: memref<64xi32, #tpu.memory_space<smem>>) -> (i32, i32) {
    %mul3A = arith.constant 4 : i32
    %mul3A_0 = arith.muli %mul3A, %arg0 : i32
    %add3A = arith.constant 1 : i32
    %add3A_1 = arith.addi %mul3A_0, %add3A : i32
    %get3A = arith.index_cast %add3A_1 : i32 to index
    %get3A_2 = memref.load %arg1[%get3A] : memref<64xi32, #tpu.memory_space<smem>>
    %c0_i32 = arith.constant 0 : i32
    %c0_i32_3 = arith.constant 0 : i32
    return %get3A_2, %c0_i32 : i32, i32
  }
  func.func @transform_3(%arg0: i32, %arg1: memref<64xi32, #tpu.memory_space<smem>>) -> (i32, i32) {
    %mul3A = arith.constant 4 : i32
    %mul3A_0 = arith.muli %mul3A, %arg0 : i32
    %add3A = arith.constant 2 : i32
    %add3A_1 = arith.addi %mul3A_0, %add3A : i32
    %get3A = arith.index_cast %add3A_1 : i32 to index
    %get3A_2 = memref.load %arg1[%get3A] : memref<64xi32, #tpu.memory_space<smem>>
    %c0_i32 = arith.constant 0 : i32
    %c0_i32_3 = arith.constant 0 : i32
    return %get3A_2, %c0_i32 : i32, i32
  }
  func.func @transform_4(%arg0: i32, %arg1: memref<64xi32, #tpu.memory_space<smem>>) -> (i32, i32) {
    %mul3A = arith.constant 4 : i32
    %mul3A_0 = arith.muli %mul3A, %arg0 : i32
    %add3A = arith.constant 3 : i32
    %add3A_1 = arith.addi %mul3A_0, %add3A : i32
    %get3A = arith.index_cast %add3A_1 : i32 to index
    %get3A_2 = memref.load %arg1[%get3A] : memref<64xi32, #tpu.memory_space<smem>>
    %c0_i32 = arith.constant 0 : i32
    %c0_i32_3 = arith.constant 0 : i32
    return %get3A_2, %c0_i32 : i32, i32
  }
  func.func @transform_5(%arg0: i32, %arg1: memref<64xi32, #tpu.memory_space<smem>>) -> (i32, i32) {
    %mul3A = arith.constant 4 : i32
    %mul3A_0 = arith.muli %mul3A, %arg0 : i32
    %add3A = arith.constant 0 : i32
    %add3A_1 = arith.addi %mul3A_0, %add3A : i32
    %get3A = arith.index_cast %add3A_1 : i32 to index
    %get3A_2 = memref.load %arg1[%get3A] : memref<64xi32, #tpu.memory_space<smem>>
    %c0_i32 = arith.constant 0 : i32
    %c0_i32_3 = arith.constant 0 : i32
    return %get3A_2, %c0_i32 : i32, i32
  }
  func.func @transform_6(%arg0: i32, %arg1: memref<64xi32, #tpu.memory_space<smem>>) -> (i32, i32) {
    %mul3A = arith.constant 4 : i32
    %mul3A_0 = arith.muli %mul3A, %arg0 : i32
    %add3A = arith.constant 1 : i32
    %add3A_1 = arith.addi %mul3A_0, %add3A : i32
    %get3A = arith.index_cast %add3A_1 : i32 to index
    %get3A_2 = memref.load %arg1[%get3A] : memref<64xi32, #tpu.memory_space<smem>>
    %c0_i32 = arith.constant 0 : i32
    %c0_i32_3 = arith.constant 0 : i32
    return %get3A_2, %c0_i32 : i32, i32
  }
  func.func @transform_7(%arg0: i32, %arg1: memref<64xi32, #tpu.memory_space<smem>>) -> (i32, i32) {
    %mul3A = arith.constant 4 : i32
    %mul3A_0 = arith.muli %mul3A, %arg0 : i32
    %add3A = arith.constant 2 : i32
    %add3A_1 = arith.addi %mul3A_0, %add3A : i32
    %get3A = arith.index_cast %add3A_1 : i32 to index
    %get3A_2 = memref.load %arg1[%get3A] : memref<64xi32, #tpu.memory_space<smem>>
    %c0_i32 = arith.constant 0 : i32
    %c0_i32_3 = arith.constant 0 : i32
    return %get3A_2, %c0_i32 : i32, i32
  }
  func.func @transform_8(%arg0: i32, %arg1: memref<64xi32, #tpu.memory_space<smem>>) -> (i32, i32) {
    %mul3A = arith.constant 4 : i32
    %mul3A_0 = arith.muli %mul3A, %arg0 : i32
    %add3A = arith.constant 3 : i32
    %add3A_1 = arith.addi %mul3A_0, %add3A : i32
    %get3A = arith.index_cast %add3A_1 : i32 to index
    %get3A_2 = memref.load %arg1[%get3A] : memref<64xi32, #tpu.memory_space<smem>>
    %c0_i32 = arith.constant 0 : i32
    %c0_i32_3 = arith.constant 0 : i32
    return %get3A_2, %c0_i32 : i32, i32
  }
  func.func @transform_9(%arg0: i32, %arg1: memref<64xi32, #tpu.memory_space<smem>>) -> (i32, i32) {
    %c0_i32 = arith.constant 0 : i32
    %c0_i32_0 = arith.constant 0 : i32
    return %arg0, %c0_i32 : i32, i32
  }
  func.func @transform_10(%arg0: i32, %arg1: memref<64xi32, #tpu.memory_space<smem>>) -> (i32, i32) {
    %c0_i32 = arith.constant 0 : i32
    %c0_i32_0 = arith.constant 0 : i32
    %c0_i32_1 = arith.constant 0 : i32
    return %c0_i32, %c0_i32_0 : i32, i32
  }
  func.func @transform_11(%arg0: i32, %arg1: memref<64xi32, #tpu.memory_space<smem>>) -> i32 {
    %c0_i32 = arith.constant 0 : i32
    %c0_i32_0 = arith.constant 0 : i32
    return %c0_i32 : i32
  }
  func.func @transform_12(%arg0: i32, %arg1: memref<64xi32, #tpu.memory_space<smem>>) -> (i32, i32) {
    %c0_i32 = arith.constant 0 : i32
    %c0_i32_0 = arith.constant 0 : i32
    return %arg0, %c0_i32 : i32, i32
  }
}

</mosaic_0001>

<sc_bundles>
// kernel: kernel.6.cloned.1.call-start
scs
__scs_entry_jumppad:
0x0: {  	(pc) =	sbr.rel $0x88, $3  }
0x1: {  	(tag) =	ssettag $0x0;
	lr =	simm.s32 $0x1  }
0x2: {  	[smem:$0x3F94] =	sst lr;
	_ =	strace $0xD0000000  }
0x3: {  	_ = 	snop  }
0x4: {  	_ = 	snop  }
0x5: {  	_ = 	snop  }
0x6: {  	_ = 	snop  }
0x7: {  	_ = 	snop  }
__scs_overlays_trampoline_lowered:
0x8: {  	[smem:$0x3FA3] =	sst s0  }
0x9: {  	[smem:$0x3FA4] =	sst s1  }
0xa: {  	[smem:$0x3FA5] =	sst s2  }
0xb: {  	[smem:$0x3FA6] =	sst s3  }
0xc: {  	[smem:$0x3FA7] =	sst s4  }
0xd: {  	[smem:$0x3FA8] =	sst s5  }
0xe: {  	[smem:$0x3FA9] =	sst s6  }
0xf: {  	[smem:$0x3FAA] =	sst s7  }
0x10: {  	[smem:$0x3FAB] =	sst s8  }
0x11: {  	[smem:$0x3FAC] =	sst s9;
	s0 =	simm.s32 @!p0 $0x0  }
0x12: {  	s1 =	sld [smem:$0x3F92];
	s0 =	simm.s32 @p0 $0x1  }
0x13: {  	[smem:$0x3FAD] =	sst s0;
	s0 =	simm.s32 @!p1 $0x0  }
0x14: {  	s2 =	sld [smem:$0x3F91];
	s0 =	simm.s32 @p1 $0x1  }
0x15: {  	[smem:$0x3FAE] =	sst s0;
	s0 =	simm.s32 @!p2 $0x0  }
0x16: {  	s3 =	sld [smem:$0x3FDB];
	s0 =	simm.s32 @p2 $0x1  }
0x17: {  	s4 =	simm.s32 $0x1BF5;
	[smem:$0x3FB0] =	sst s0  }
0x18: {  	s0 =	sld [smem:$0x3F93];
	_ =	swait.ge [sflag:s4], $0x0  }
0x19: {  	s7 =	sld [smem:$0x3F94]  }
0x1a: {  	s8 =	sadd.s32 $0xFFFFE003, lr  }
0x1b: {  	s9 =	sadd.s32 $0xFFFFFEF7, lr;
	s5 =	simm.s32 $0xFFFFFFFF;
	p2 =	slt.u32 s8, $0xFFFFF086  }
0x1c: {  	p1 =	slt.u32 s9, $0xF7A;
	s5 =	simm.s32 @!p2 $0x0  }
0x1d: {  	s5 =	simm.s32 @p1 $0x1;
	p0 =	seq.s32 s7, s2  }
0x1e: {  	s7 =	smul.u32 @!p0 $0xF7A, s2;
	p2 =	seq.s32 @!p0 s5, $0x0  }
0x1f: {  	s9 =	smul.u32 $0xF7A, s1;
	s8 =	simm.s32 @!p0 $0x1BF5;
	p2 =	por !p2, p0  }
0x20: {  	[sflag:s8] =	ssyncset.s32 @!p0 $0xFFFFF086;
	s6 =	sadd.s32 @!p0 s3, s7;
	s7 =	simm.s32 @!p0 $0x108  }
0x21: {  	s3 =	sadd.s32 s3, s9;
	s6 =	sadd.s32 @!p0 $0x88, s6;
	s7 =	simm.s32 @p2 $0x1082  }
0x22: {  	[simem:s7], [sflag:s8] =	dma.local @!p0 [hbm:s6], $0xF7A  }
0x23: {  	s9 =	sor.u32 $0xD0000000, s2;
	s6 =	simm.s32 $0x108;
	_ =	swait.ge @!p0 [sflag:s8], $0x0  }
0x24: {  	s3 =	sadd.s32 $0x88, s3;
	s6 =	simm.s32 @!p1 $0x1082;
	[sflag:s4] =	ssyncset.s32 $0xFFFFF086  }
0x25: {  	[simem:s6], [sflag:s4] =	dma.local [hbm:s3], $0xF7A  }
0x26: {  	[smem:$0x3F94] =	sst s1;
	(tag) =	ssettag s2;
	_ =	strace s9  }
0x27: {  	s1 =	sld [smem:$0x3FA4]  }
0x28: {  	s2 =	sld [smem:$0x3FA5]  }
0x29: {  	s4 =	sld [smem:$0x3FA7]  }
0x2a: {  	p0 =	seq.s32 s5, $0x0;
	s5 =	sld [smem:$0x3FA8]  }
0x2b: {  	s6 =	sld [smem:$0x3FA9]  }
0x2c: {  	s7 =	sld [smem:$0x3FAA]  }
0x2d: {  	s3 =	simm.s32 $0x108;
	s8 =	sld [smem:$0x3FAB]  }
0x2e: {  	s3 =	simm.s32 @!p0 $0x1082;
	s9 =	sld [smem:$0x3FAC]  }
0x2f: {  	lr =	sadd.s32 s0, s3;
	s0 =	sld [smem:$0x3FA3]  }
0x30: {  	s3 =	sld [smem:$0x3FA6]  }
0x31: {  	[smem:$0x3FAF] =	sst s10  }
0x32: {  	s10 =	sld [smem:$0x3FAD];
	_ =	sdelay $0x3  }
0x33: {  	p0 =	seq.s32 s10, $0x1;
	s10 =	sld [smem:$0x3FAF];
	_ =	sdelay $0x3  }
0x34: {  	[smem:$0x3FAF] =	sst s10  }
0x35: {  	s10 =	sld [smem:$0x3FAE];
	_ =	sdelay $0x3  }
0x36: {  	p1 =	seq.s32 s10, $0x1;
	s10 =	sld [smem:$0x3FAF];
	_ =	sdelay $0x3  }
0x37: {  	[smem:$0x3FAF] =	sst s10  }
0x38: {  	s10 =	sld [smem:$0x3FB0]  }
0x39: {  	_ = 	snop;
	(pc) =	sbr.ind lr, $3  }
0x3a: {  	_ = 	snop  }
0x3b: {  	_ = 	snop  }
0x3c: {  	p2 =	seq.s32 s10, $0x1;
	s10 =	sld [smem:$0x3FAF]  }
0x3d: {  	_ =	shalt  }
0x3e: {  	_ =	shalt  }
0x3f: {  	_ =	shalt  }
0x40: {  	_ =	shalt  }
0x41: {  	_ =	shalt  }
0x42: {  	_ =	shalt  }
0x43: {  	_ =	shalt  }
0x44: {  	_ =	shalt  }
0x45: {  	_ =	shalt  }
0x46: {  	_ =	shalt  }
0x47: {  	_ =	shalt  }
0x48: {  	_ =	shalt  }
0x49: {  	_ =	shalt  }
0x4a: {  	_ =	shalt  }
0x4b: {  	_ =	shalt  }
0x4c: {  	_ =	shalt  }
0x4d: {  	_ =	shalt  }
0x4e: {  	_ =	shalt  }
0x4f: {  	_ =	shalt  }
0x50: {  	_ =	shalt  }
0x51: {  	_ =	shalt  }
0x52: {  	_ =	shalt  }
0x53: {  	_ =	shalt  }
0x54: {  	_ =	shalt  }
0x55: {  	_ =	shalt  }
0x56: {  	_ =	shalt  }
0x57: {  	_ =	shalt  }
0x58: {  	_ =	shalt  }
0x59: {  	_ =	shalt  }
0x5a: {  	_ =	shalt  }
0x5b: {  	_ =	shalt  }
0x5c: {  	_ =	shalt  }
0x5d: {  	_ =	shalt  }
0x5e: {  	_ =	shalt  }
0x5f: {  	_ =	shalt  }
0x60: {  	_ =	shalt  }
0x61: {  	_ =	shalt  }
0x62: {  	_ =	shalt  }
0x63: {  	_ =	shalt  }
0x64: {  	_ =	shalt  }
0x65: {  	_ =	shalt  }
0x66: {  	_ =	shalt  }
0x67: {  	_ =	shalt  }
0x68: {  	_ =	shalt  }
0x69: {  	_ =	shalt  }
0x6a: {  	_ =	shalt  }
0x6b: {  	_ =	shalt  }
0x6c: {  	_ =	shalt  }
0x6d: {  	_ =	shalt  }
0x6e: {  	_ =	shalt  }
0x6f: {  	_ =	shalt  }
0x70: {  	_ =	shalt  }
0x71: {  	_ =	shalt  }
0x72: {  	_ =	shalt  }
0x73: {  	_ =	shalt  }
0x74: {  	_ =	shalt  }
0x75: {  	_ =	shalt  }
0x76: {  	_ =	shalt  }
0x77: {  	_ =	shalt  }
0x78: {  	_ =	shalt  }
0x79: {  	_ =	shalt  }
0x7a: {  	_ =	shalt  }
0x7b: {  	_ =	shalt  }
0x7c: {  	_ =	shalt  }
0x7d: {  	_ =	shalt  }
0x7e: {  	_ =	shalt  }
0x7f: {  	_ =	shalt  }
0x80: {  	_ =	shalt  }
0x81: {  	_ =	shalt  }
0x82: {  	_ =	shalt  }
0x83: {  	_ =	shalt  }
0x84: {  	_ =	shalt  }
0x85: {  	_ =	shalt  }
0x86: {  	_ =	shalt  }
0x87: {  	_ =	shalt  }
.Lfunc_end0:
.L_simem_size_0:
called_computation_lowered:
.L_overlay_start_0:
0x88: {  	s2 =	sld [smem:$0x3FD9]  }
0x89: {  	s3 =	sld [smem:$0x3FFE];
	_ =	sdelay $0x1  }
0x8a: {  	s1 =	srdreg.scid  }
0x8b: {  	s0 =	sand.u32 $0x1, s1  }
0x8c: {  	s17 =	sshll.u32 s0, $0xA;
	s2 =	sadd.s32 s3, s2  }
0x8d: {  	s2 =	sadd.s32 s2, s17  }
0x8e: {  	[smem:$0x3FBB] =	sst s2  }
0x8f: {  	_ = 	snop  }
0x90: {  	s2 =	sld [smem:$0x3FD0];
	(tm) =	ssettm $0x1  }
0x91: {  	s18 =	sld [smem:$0x3FFB];
	_ =	sdelay $0x3  }
0x92: {  	_ =	strace s18  }
0x93: {  	s3 =	sld [smem:$0x3FFC];
	_ =	sdelay $0x3  }
0x94: {  	_ =	strace s3  }
0x95: {  	s3 =	sld [smem:$0x3FFD];
	_ =	sdelay $0x3  }
0x96: {  	_ =	strace s3  }
0x97: {  	_ =	strace $0x8FFFFFFF  }
0x98: {  	s19 =	sld [smem:$0x3FDB];
	_ =	sdelay $0x1  }
0x99: {  	s4 =	simm.s32 $_scs_section_size  }
0x9a: {  	s5 =	simm.s32 $_size__tile_overlayer_lowered;
	s6 =	simm.s32 $_tile_overlayer_lowered  }
0x9b: {  	s22 =	simm.s32 $0x1BFF;
	s21 =	sshll.u32 s6, $0x1;
	s3 =	sadd.s32 s4, s19  }
0x9c: {  	s7 =	simm.s32 $0x0;
	s20 =	sshll.u32 s5, $0x1;
	s5 =	sadd.s32 s21, s3  }
0x9d: {  	[timem:s7], [sflag:s22] =	dma.local [hbm:s5], s20  }
0x9e: {  	_ =	swait.ge [sflag:s22], s20  }
0x9f: {  	s4 =	ssub.s32 $0x0, s20;
	[sflag:s22] =	ssyncset.done $0x0  }
0xa0: {  	[sflag:s22] =	ssyncadd.s32 s4;
	_ =	sdelay $0x1  }
0xa1: {  	s23 =	simm.s32 $0x1B8B  }
0xa2: {  	_ =	swait.ge [sflag:s23], $0x1  }
0xa3: {  	[sflag:s23] =	ssyncset.done $0x0  }
0xa4: {  	s25 =	simm.s32 $0x1B8E;
	s24 =	sld [smem:$0x3FFE];
	[sflag:s23] =	ssyncadd.s32 $0xFFFFFFFF  }
0xa5: {  	s26 =	simm.s32 $execute0_lowered;
	[smem:$0x3FD2] =	sst s25  }
0xa6: {  	s5 =	sshll.u32 s26, $0x1;
	_ =	strace $0x80000046;
	[dreg:$0x1] =	wrdreg $0xFFFFFFFF  }
0xa7: {  	s28 =	simm.s32 $_size_execute0_lowered;
	s3 =	sadd.s32 s3, s5;
	[dreg:$0x0] =	wrdreg $0x0  }
0xa8: {  	s5 =	sshll.u32 s28, $0x1;
	[dreg:$0x2] =	wrdreg s3  }
0xa9: {  	[dreg:$0x3] =	wrdreg s5  }
0xaa: {  	[dreg:$0x4] =	wrdreg $0xC0  }
0xab: {  	_ =	task [dreg:s7], $0x5FFFF  }
0xac: {  	[dreg:$0x1] =	wrdreg $0xFFFFFFFF  }
0xad: {  	[dreg:$0x0] =	wrdreg $0x60  }
0xae: {  	[dreg:$0x2] =	wrdreg s24  }
0xaf: {  	[dreg:$0x3] =	wrdreg s2  }
0xb0: {  	[dreg:$0x4] =	wrdreg $0x9  }
0xb1: {  	_ =	task.clear_ibuf [dreg:s7], $0x5FFFF;
	_ =	strace $0x90000046  }
0xb2: {  	s29 =	simm.s32 $0x9;
	_ =	strace $0x80000048  }
0xb3: {  	_ =	swait.ge [sflag:s29], $0x1  }
0xb4: {  	[sflag:s29] =	ssyncadd.s32 $0xFFFFFFFF  }
0xb5: {  	_ =	strace $0x90000048  }
0xb6: {  	_ =	sfence  }
0xb7: {  	s30 =	sld [smem:$0x0];
	_ =	sdelay $0x2  }
0xb8: {  	s31 =	sshll.u32 s1, $0xD;
	s1 =	sshrl.u32 s1, $0x2  }
0xb9: {  	s3 =	sand.u32 $0x4000, s31;
	s1 =	sadd.s32 s1, s30  }
0xba: {  	s0 =	sor.u32 s3, s0;
	s1 =	sshll.u32 s1, $0x11  }
0xbb: {  	s0 =	sor.u32 s1, s0  }
0xbc: {  	s0 =	sadd.s32 $0x8F2B, s0  }
0xbd: {  	[sflag:s0] =	ssyncadd.remote.s32 $0x1  }
0xbe: {  	_ =	sfence.sel $0xFFFF  }
0xbf: {  	[dreg:$0x0] =	wrdreg $0xFFFFFFFF;
	(pc) =	sbr.abs _section_cstart, $3  }
0xc0: {  	[dreg:$0x1] =	wrdreg $0xFFFFFFFF  }
0xc1: {  	_ =	task.clear_ibuf [dreg:s7], $0x2FFFF;
	_ =	strace $0x9FFFFFFF  }
0xc2: {  	(tm) =	ssettm $0x7FFFFFFF  }
0xc3: {  	_ =	shalt  }
tec
execute0_lowered:
.L_overlay_start_1:
0x0: {  	(tag) =	ssettag $0x1  }
0x1: {  	s1 =	stileid.u32  }
0x2: {  	p0 =	sgt.u32 s1, $0x7  }
.Ltmp0:
0x3: {  	_ = 	snop;
	(pc) =	sbr.rel @p0 .LBB2_5-.Ltmp0, $4  }
0x4: {  	s4 =	rddreg [dreg:$0x0]  }
0x5: {  	s2 =	rddreg [dreg:$0x1];
	s3 =	simm.s32 $0x0  }
0x6: {  	[smem:$0x7FF] =	sst s3  }
0x7: {  	s0 =	rddreg [dreg:$0x2];
	_ =	strace $0x80000047  }
0x8: {  	s5 =	srdreg.scid;
	s6 =	sshll.u32 s1, $0x8;
	s7 =	sshrl.u32 s1, $0x2  }
0x9: {  	s9 =	sadd.s32 $0x1C00, s4;
	s11 =	simm.s32 $0x18300;
	s5 =	sand.u32 $0x1, s5  }
0xa: {  	s6 =	sand.u32 $0x300, s6;
	s28 =	sshll.u32 s7, $0xA;
	s8 =	sshll.u32 s5, $0x7  }
0xb: {  	s7 =	smul.u32 $0x1800, s7;
	s5 =	ssub.s32 $0x2, s5;
	s6 =	sor.u32 s8, s6  }
0xc: {  	s12 =	simm.s32 $0x0;
	s10 =	sshrl.u32 s5, $0x1;
	s8 =	sor.u32 s28, s6  }
0xd: {  	s6 =	sor.u32 s7, s6;
	s30 =	ssub.s32 s5, s10;
	s7 =	simm.s32 $0x80  }
0xe: {  	s10 =	simm.s32 $0x300;
	s8 =	sshrl.u32 s8, $0x3;
	s31 =	sshrl.u32 s6, $0x3  }
0xf: {  	v0 =	vlaneseq.u32;
	vm0 =	vmmov $0x1;
	s6 =	smax.u32 s30, $0x1;
	s29 =	sadd.s32 s8, s4;
	s5 =	sadd.s32 s9, s31  }
0x10: {  	vm1 =	vcmask $0x310;
	vm2 =	vcmask $0x710;
	vm3 =	vcmask $0xB10;
	s8 =	simm.s32 $0x400;
	s9 =	simm.s32 $0x1;
	s4 =	sadd.s32 $0x2200, s29  }
.LBB2_2:
0x11: {  	s13 =	simm.s32 $0x0  }
0x12: {  	[tilespmem:s13], [sflag:$0x1] =	stream.strided.gather [hbm4b:s5+s7], $0x300, s8, s7, $0x38;
	[tilespmem:$0x18380] =	vst v63  }
0x13: {  	_ =	swait.ge [sflag:s9], $0x300  }
0x14: {  	[sflag:s9] =	ssyncset.done $0x0  }
0x15: {  	[sflag:s9] =	ssyncadd.s32 $0xFFFFFD00  }
0x16: {  	[tilespmem:s10], [sflag:$0x1] =	stream.linear.gather [hbm4b:s2+s13], $0x18000, $0x38;
	[tilespmem:$0x18380] =	vst v63  }
0x17: {  	_ =	swait.ge [sflag:s9], $0x18000  }
0x18: {  	[sflag:s9] =	ssyncset.done $0x0  }
0x19: {  	s31 =	simm.s32 $0x0;
	[sflag:s9] =	ssyncadd.s32 $0xFFFE8000  }
0x1a: {  	v1 =	vld [tilespmem:s31+$0x0]  }
0x1b: {  	s13 =	simm.s32 $0x700  }
0x1c: {  	v2 =	vld [tilespmem:s13+$0xFFFFFC00];
	_ =	sdelay $0x1  }
0x1d: {  	v3 =	vld [tilespmem:s13+$0xFFFFFC80]  }
0x1e: {  	v4 =	vbroadcast v1, $0x0  }
0x1f: {  	v5 =	vld [tilespmem:s13+$0xFFFFFD00]  }
0x20: {  	v2 =	vmul.f32 v2, v4;
	v4 =	vbroadcast v1, $0x1  }
0x21: {  	v6 =	vimm.f32 $0.0e+00;
	v7 =	vld [tilespmem:s13+$0xFFFFFD80]  }
0x22: {  	v2 =	vadd.f32 v2, v6;
	v3 =	vmul.f32 v3, v4;
	v4 =	vbroadcast v1, $0x2  }
0x23: {  	v6 =	vld [tilespmem:s13+$0xFFFFFE00]  }
0x24: {  	v2 =	vadd.f32 v3, v2;
	v3 =	vmul.f32 v5, v4;
	v4 =	vbroadcast v1, $0x3  }
0x25: {  	v5 =	vld [tilespmem:s13+$0xFFFFFE80]  }
0x26: {  	v2 =	vadd.f32 v3, v2;
	v3 =	vmul.f32 v7, v4;
	v4 =	vbroadcast v1, $0x4  }
0x27: {  	v7 =	vld [tilespmem:s13+$0xFFFFFF00]  }
0x28: {  	v2 =	vadd.f32 v3, v2;
	v3 =	vmul.f32 v6, v4;
	v4 =	vbroadcast v1, $0x5  }
0x29: {  	v6 =	vld [tilespmem:s13+$0xFFFFFF80]  }
0x2a: {  	v2 =	vadd.f32 v3, v2;
	v3 =	vmul.f32 v5, v4;
	v4 =	vbroadcast v1, $0x6  }
0x2b: {  	v5 =	vld [tilespmem:s13+$0x0]  }
0x2c: {  	v2 =	vadd.f32 v3, v2;
	v3 =	vmul.f32 v7, v4;
	v4 =	vbroadcast v1, $0x7  }
0x2d: {  	v7 =	vld [tilespmem:s13+$0x80]  }
0x2e: {  	v2 =	vadd.f32 v3, v2;
	v3 =	vmul.f32 v6, v4;
	v4 =	vbroadcast v1, $0x8  }
0x2f: {  	v6 =	vld [tilespmem:s13+$0x100]  }
0x30: {  	v2 =	vadd.f32 v3, v2;
	v3 =	vmul.f32 v5, v4;
	v4 =	vbroadcast v1, $0x9  }
0x31: {  	v5 =	vld [tilespmem:s13+$0x180]  }
0x32: {  	v2 =	vadd.f32 v3, v2;
	v3 =	vmul.f32 v7, v4;
	v4 =	vbroadcast v1, $0xA  }
0x33: {  	v7 =	vld [tilespmem:s13+$0x200]  }
0x34: {  	v2 =	vadd.f32 v3, v2;
	v3 =	vmul.f32 v6, v4;
	v6 =	vbroadcast v1, $0xB  }
0x35: {  	v4 =	vld [tilespmem:s13+$0x280]  }
0x36: {  	v3 =	vadd.f32 v3, v2;
	v5 =	vmul.f32 v5, v6;
	v6 =	vbroadcast v1, $0xC  }
0x37: {  	v2 =	vld [tilespmem:s13+$0x300]  }
0x38: {  	s15 =	simm.s32 $0x10;
	s14 =	simm.s32 $0x80;
	v5 =	vadd.f32 v5, v3;
	v6 =	vmul.f32 v7, v6;
	v7 =	vbroadcast v1, $0xD;
	v3 =	vld [tilespmem:s13+$0x380]  }
.LBB2_3:
0x39: {  	p0 =	sne.s32 s14, $0xBC0;
	v8 =	vld [tilespmem:s15+$0x0]  }
0x3a: {  	s13 =	sadd.s32 $0x800, s13;
	v5 =	vadd.f32 v6, v5;
	v4 =	vmul.f32 v4, v7;
	v6 =	vbroadcast v1, $0xE  }
0x3b: {  	v7 =	vld [tilespmem:s13+$0xFFFFFC00]  }
0x3c: {  	v9 =	vbroadcast v1, $0xF;
	v4 =	vadd.f32 v4, v5;
	v2 =	vmul.f32 v2, v6  }
0x3d: {  	v5 =	vld [tilespmem:s13+$0xFFFFFC80]  }
0x3e: {  	v3 =	vmul.f32 v3, v9;
	v6 =	vbroadcast v8, $0x0;
	v2 =	vadd.f32 v2, v4;
	v1 =	vmovc v8  }
0x3f: {  	v4 =	vld [tilespmem:s13+$0xFFFFFD00]  }
0x40: {  	v6 =	vmul.f32 v7, v6;
	v7 =	vbroadcast v1, $0x1;
	v2 =	vadd.f32 v3, v2  }
0x41: {  	v3 =	vld [tilespmem:s13+$0xFFFFFD80]  }
0x42: {  	v2 =	vadd.f32 v6, v2;
	v5 =	vmul.f32 v5, v7;
	v6 =	vbroadcast v1, $0x2  }
0x43: {  	v7 =	vld [tilespmem:s13+$0xFFFFFE00]  }
0x44: {  	v2 =	vadd.f32 v5, v2;
	v4 =	vmul.f32 v4, v6;
	v5 =	vbroadcast v1, $0x3  }
0x45: {  	v6 =	vld [tilespmem:s13+$0xFFFFFE80]  }
0x46: {  	v2 =	vadd.f32 v4, v2;
	v3 =	vmul.f32 v3, v5;
	v4 =	vbroadcast v1, $0x4  }
0x47: {  	v5 =	vld [tilespmem:s13+$0xFFFFFF00]  }
0x48: {  	v2 =	vadd.f32 v3, v2;
	v3 =	vmul.f32 v7, v4;
	v4 =	vbroadcast v1, $0x5  }
0x49: {  	v7 =	vld [tilespmem:s13+$0xFFFFFF80]  }
0x4a: {  	v2 =	vadd.f32 v3, v2;
	v3 =	vmul.f32 v6, v4;
	v4 =	vbroadcast v1, $0x6  }
0x4b: {  	v6 =	vld [tilespmem:s13+$0x0]  }
0x4c: {  	v2 =	vadd.f32 v3, v2;
	v3 =	vmul.f32 v5, v4;
	v4 =	vbroadcast v1, $0x7  }
0x4d: {  	v5 =	vld [tilespmem:s13+$0x80]  }
0x4e: {  	v2 =	vadd.f32 v3, v2;
	v3 =	vmul.f32 v7, v4;
	v4 =	vbroadcast v1, $0x8  }
0x4f: {  	v7 =	vld [tilespmem:s13+$0x100]  }
0x50: {  	v2 =	vadd.f32 v3, v2;
	v3 =	vmul.f32 v6, v4;
	v4 =	vbroadcast v1, $0x9  }
0x51: {  	v6 =	vld [tilespmem:s13+$0x180]  }
0x52: {  	v2 =	vadd.f32 v3, v2;
	v3 =	vmul.f32 v5, v4;
	v4 =	vbroadcast v1, $0xA  }
0x53: {  	v8 =	vld [tilespmem:s13+$0x200]  }
.Ltmp1:
0x54: {  	v5 =	vbroadcast v1, $0xB;
	v2 =	vadd.f32 v3, v2;
	v3 =	vmul.f32 v7, v4;
	(pc) =	sbr.rel @p0 .LBB2_3-.Ltmp1, $4  }
0x55: {  	v4 =	vld [tilespmem:s13+$0x280]  }
0x56: {  	v3 =	vadd.f32 v3, v2;
	v5 =	vmul.f32 v6, v5;
	v6 =	vbroadcast v1, $0xC  }
0x57: {  	v2 =	vld [tilespmem:s13+$0x300]  }
0x58: {  	s15 =	sshra.s32 s14, $0x2;
	s14 =	sadd.s32 $0x40, s14;
	v7 =	vbroadcast v1, $0xD;
	v5 =	vadd.f32 v5, v3;
	v6 =	vmul.f32 v8, v6;
	v3 =	vld [tilespmem:s13+$0x380]  }
0x59: {  	v8 =	vld [tilespmem:s15+$0x0]  }
0x5a: {  	v41 =	vbroadcast v1, $0xE;
	s13 =	sadd.s32 $0x800, s13;
	v5 =	vadd.f32 v6, v5;
	v4 =	vmul.f32 v4, v7  }
0x5b: {  	v42 =	vld [tilespmem:s13+$0xFFFFFC00]  }
0x5c: {  	v1 =	vbroadcast v1, $0xF;
	v4 =	vadd.f32 v4, v5;
	v2 =	vmul.f32 v2, v41  }
0x5d: {  	v43 =	vld [tilespmem:s13+$0xFFFFFC80]  }
0x5e: {  	v1 =	vmul.f32 v3, v1;
	v44 =	vbroadcast v8, $0x0;
	v2 =	vadd.f32 v2, v4  }
0x5f: {  	v3 =	vld [tilespmem:s13+$0xFFFFFD00]  }
0x60: {  	v46 =	vbroadcast v8, $0x1;
	v45 =	vmul.f32 v42, v44;
	v1 =	vadd.f32 v1, v2  }
0x61: {  	v2 =	vld [tilespmem:s13+$0xFFFFFD80]  }
0x62: {  	v48 =	vbroadcast v8, $0x2;
	v47 =	vmul.f32 v43, v46;
	v1 =	vadd.f32 v45, v1  }
0x63: {  	v49 =	vld [tilespmem:s13+$0xFFFFFE00]  }
0x64: {  	v50 =	vbroadcast v8, $0x3;
	v3 =	vmul.f32 v3, v48;
	v1 =	vadd.f32 v47, v1  }
0x65: {  	v51 =	vld [tilespmem:s13+$0xFFFFFE80]  }
0x66: {  	v2 =	vmul.f32 v2, v50;
	v1 =	vadd.f32 v3, v1;
	v3 =	vbroadcast v8, $0x4  }
0x67: {  	v52 =	vld [tilespmem:s13+$0xFFFFFF00]  }
0x68: {  	v1 =	vadd.f32 v2, v1;
	v2 =	vmul.f32 v49, v3;
	v3 =	vbroadcast v8, $0x5  }
0x69: {  	v53 =	vld [tilespmem:s13+$0xFFFFFF80]  }
0x6a: {  	v1 =	vadd.f32 v2, v1;
	v2 =	vmul.f32 v51, v3;
	v3 =	vbroadcast v8, $0x6  }
0x6b: {  	v54 =	vld [tilespmem:s13+$0x0]  }
0x6c: {  	v1 =	vadd.f32 v2, v1;
	v2 =	vmul.f32 v52, v3;
	v3 =	vbroadcast v8, $0x7  }
0x6d: {  	v55 =	vld [tilespmem:s13+$0x80]  }
0x6e: {  	v1 =	vadd.f32 v2, v1;
	v2 =	vmul.f32 v53, v3;
	v3 =	vbroadcast v8, $0x8  }
0x6f: {  	v56 =	vld [tilespmem:s13+$0x100]  }
0x70: {  	v1 =	vadd.f32 v2, v1;
	v2 =	vmul.f32 v54, v3;
	v3 =	vbroadcast v8, $0x9  }
0x71: {  	v57 =	vld [tilespmem:s13+$0x180]  }
0x72: {  	v1 =	vadd.f32 v2, v1;
	v2 =	vmul.f32 v55, v3;
	v3 =	vbroadcast v8, $0xA  }
0x73: {  	v58 =	vld [tilespmem:s13+$0x200]  }
0x74: {  	v1 =	vadd.f32 v2, v1;
	v2 =	vmul.f32 v56, v3;
	v3 =	vbroadcast v8, $0xB  }
0x75: {  	v59 =	vld [tilespmem:s13+$0x280]  }
0x76: {  	v1 =	vadd.f32 v2, v1;
	v2 =	vmul.f32 v57, v3;
	v3 =	vbroadcast v8, $0xC  }
0x77: {  	v60 =	vld [tilespmem:s13+$0x300]  }
0x78: {  	v1 =	vadd.f32 v2, v1;
	v2 =	vmul.f32 v58, v3;
	v3 =	vbroadcast v8, $0xD  }
0x79: {  	v61 =	vld [tilespmem:s13+$0x380]  }
0x7a: {  	v1 =	vadd.f32 v2, v1;
	v2 =	vmul.f32 v59, v3;
	v3 =	vbroadcast v8, $0xE;
	_ =	sdelay $0x1  }
0x7b: {  	v1 =	vadd.f32 v2, v1;
	v2 =	vmul.f32 v60, v3;
	v3 =	vbroadcast v8, $0xF;
	_ =	sdelay $0x1  }
0x7c: {  	v1 =	vadd.f32 v2, v1;
	v2 =	vmul.f32 v61, v3;
	_ =	sdelay $0x1  }
0x7d: {  	v1 =	vadd.f32 v2, v1;
	_ =	sdelay $0x1  }
0x7e: {  	(xrf1) =	vsort.dscd.msk.f32 $0xffff, v1, v0;
	_ =	sdelay $0xd  }
0x7f: {  	v2, _, _ =	vpop (xrf1)  }
0x80: {  	v3 =	vbroadcast v2, $0x0;
	_ =	sdelay $0x1  }
0x81: {  	vm4 =	veq.f32 v1, v3  }
0x82: {  	v3 =	vmctz.xlane vm4;
	_ =	sdelay $0x1  }
0x83: {  	v62 =	vbroadcast v2, $0x1;
	vm4 =	veq.s32 v3, v0  }
0x84: {  	v1 =	vsel vm4, $0xFF800000, v1  }
0x85: {  	vm4 =	veq.f32 v1, v62  }
0x86: {  	v4 =	vmctz.xlane vm4;
	_ =	sdelay $0x1  }
0x87: {  	v63 =	vbroadcast v2, $0x2;
	vm4 =	veq.s32 v4, v0  }
0x88: {  	v1 =	vsel vm4, $0xFF800000, v1  }
0x89: {  	vm4 =	veq.f32 v1, v63  }
0x8a: {  	v5 =	vmctz.xlane vm4;
	_ =	sdelay $0x1  }
0x8b: {  	v2 =	vbroadcast v2, $0x3;
	vm4 =	veq.s32 v5, v0  }
0x8c: {  	v1 =	vsel vm4, $0xFF800000, v1  }
0x8d: {  	v3 =	vnsel vm0, $0x0, v3;
	vm4 =	veq.f32 v1, v2  }
0x8e: {  	v1 =	vsel vm1, v3, v4;
	v2 =	vmctz.xlane vm4  }
0x8f: {  	s12 =	sadd.s32 $0x1, s12;
	v1 =	vsel vm2, v1, v5  }
0x90: {  	p0 =	sne.s32 s12, s6;
	v1 =	vsel vm3, v1, v2  }
.Ltmp2:
0x91: {  	[tilespmem:$0x18300] =	vst v1;
	(pc) =	sbr.rel @p0 .LBB2_2-.Ltmp2, $4  }
0x92: {  	[hbm4b:s4+s3] =	stream.linear.scatter [tilespmem:s11], [sflag:$0x1], $0x80, $0x38;
	[tilespmem:$0x18380] =	vst v63  }
0x93: {  	_ =	swait.ge [sflag:s9], $0x80  }
0x94: {  	[sflag:s9] =	ssyncset.done $0x0  }
0x95: {  	[sflag:s9] =	ssyncadd.s32 $0xFFFFFF80  }
.LBB2_5:
0x96: {  	_ =	sfence.sel $0x180000  }
0x97: {  	[bflag:$0x0] =	sbarrier.arrive $0xFFFF  }
0x98: {  	p0 =	sne.s32 s1, $0x0;
	_ =	strace $0x90000047  }
0x99: {  	s0 =	sadd.s32 @!p0 $0x100000, s0;
	[bflag:$0x2] =	sbarrier.arrive $0xFFFF  }
0x9a: {  	[sflag:s0] =	ssyncadd.tile.s32 @!p0 $0x1;
	_ =	shalt  }
.Lfunc_end2:
_tile_overlayer_lowered:
.L_overlay_start_2:
0x9b: {  	(tag) =	ssettag $0x2  }
0x9c: {  	s0 =	rddreg [dreg:$0x0];
	s2 =	stileid.u32  }
0x9d: {  	s1 =	rddreg [dreg:$0x1];
	p0 =	sne.s32 s2, $0x0  }
0x9e: {  	s3 =	rddreg [dreg:$0x2];
	[bflag:$0x3] =	sbarrier.arrive $0xFFFF;
	s2 =	simm.s32 @!p0 $0x1C01  }
0x9f: {  	[timem:s3], [sflag:s2] =	dma.local @!p0 [hbm:s0], s1  }
0xa0: {  	s0 =	simm.s32 @!p0 $0x1  }
0xa1: {  	_ =	swait.ge @!p0 [sflag:s0], s1  }
0xa2: {  	s1 =	ssub.s32 @!p0 $0x0, s1;
	[sflag:s0] =	ssyncset.done @!p0 $0x0  }
0xa3: {  	[sflag:s0] =	ssyncadd.s32 @!p0 s1  }
0xa4: {  	[bflag:$0x3] =	sbarrier.arrive $0xFFFF  }
0xa5: {  	_ =	shalt  }

</sc_bundles>
